<compile_context>
chip_gen: v7x
topology: tpu7x:2x2x1
jax: 0.10.2.dev20260603
libtpu: 0.0.44.dev20260713+nightly
codegen_flags: <defaults>
</compile_context>

<pallas_src>
import jax
import jax.numpy as jnp
from jax import lax
from jax.experimental import pallas as pl
from jax.experimental.pallas import tpu as pltpu
from jax.experimental.pallas import tpu_sc as plsc

VOCAB = 1000000
EMB_DIM = 32
BATCH = 16384
FIELDS = 26
TOTAL = BATCH * FIELDS

_info = plsc.get_sparse_core_info()
NC, NS = _info.num_cores, _info.num_subcores
NW = NC * NS

CHUNK = 416
PER_W = TOTAL // NW
NCHUNK = PER_W // CHUNK
NBUF = 8
K = 4

assert PER_W % CHUNK == 0
assert NCHUNK % NBUF == 0
assert CHUNK % 8 == 0
assert NCHUNK >= NBUF


def _body(ids_hbm, table_hbm, out_hbm, idx_v, rows_v, *sems):
    gsem, osem = sems[:NBUF], sems[NBUF:]
    wid = lax.axis_index("s") * NC + lax.axis_index("c")
    chunk0 = wid * NCHUNK

    pltpu.sync_copy(ids_hbm.at[pl.ds(chunk0, NCHUNK)], idx_v)

    def start_gather(c, b):
        pltpu.async_copy(table_hbm.at[idx_v.at[c]], rows_v.at[b], gsem[b])

    def wait_gather(c, b):
        pltpu.make_async_copy(table_hbm.at[idx_v.at[c]], rows_v.at[b],
                              gsem[b]).wait()

    def start_scatter(c, b):
        pltpu.async_copy(rows_v.at[b],
                         out_hbm.at[pl.ds((chunk0 + c) * CHUNK, CHUNK)],
                         osem[b])

    def wait_scatter(c, b):
        pltpu.make_async_copy(rows_v.at[b],
                              out_hbm.at[pl.ds((chunk0 + c) * CHUNK, CHUNK)],
                              osem[b]).wait()

    for b in range(K):
        start_gather(b, b)

    def group(g):
        for b in range(NBUF):
            c = g * NBUF + b
            wait_gather(c, b)
            start_scatter(c, b)
            nb = (b + K) % NBUF

            @pl.when(c - (NBUF - K) >= 0)
            def _():
                wait_scatter(c - (NBUF - K), nb)

            @pl.when(c + K <= NCHUNK - 1)
            def _():
                start_gather(c + K, nb)

    pl.loop(0, NCHUNK // NBUF)(group)

    for i in range(NBUF - K):
        c = NCHUNK - (NBUF - K) + i
        wait_scatter(c, c % NBUF)


def kernel(ids, table):
    flat_ids = ids.reshape(-1).astype(jnp.int32)
    ids2d = flat_ids.reshape(TOTAL // CHUNK, CHUNK)
    table = table.reshape(-1).reshape(VOCAB, EMB_DIM)

    mesh = plsc.VectorSubcoreMesh(core_axis_name="c", subcore_axis_name="s")
    out = pl.kernel(
        _body,
        out_type=jax.ShapeDtypeStruct((TOTAL, EMB_DIM), jnp.float32),
        mesh=mesh,
        scratch_types=(
            [pltpu.VMEM((NCHUNK, CHUNK), jnp.int32),
             pltpu.VMEM((NBUF, CHUNK, EMB_DIM), jnp.float32)]
            + [pltpu.SemaphoreType.DMA] * (2 * NBUF)
        ),
        compiler_params=pltpu.CompilerParams(use_tc_tiling_on_sc=False),
    )(ids2d, table)
    return out.reshape(-1).reshape(BATCH, FIELDS, EMB_DIM)

# --- scband reference (transcript-rebuilt; emitter-appended) ---
"""Pipeline reference for scband-lookup-layer-31911607009405 (READ-ONLY COPY).

The authoritative reference and input builder live on the scoring server;
editing this copy changes nothing except your own understanding.
"""

import jax, jax.numpy as jnp
import numpy as np

VOCAB = 1000000
EMB_DIM = 32
BATCH = 16384
FIELDS = 26


def setup_inputs(seed: int = 0) -> dict:
    key = jax.random.key(seed)
    k_ids, k_table = jax.random.split(key)
    ids = jax.random.randint(k_ids, (BATCH, FIELDS), 0, VOCAB, dtype=jnp.int64)
    table = jax.random.normal(k_table, (VOCAB, EMB_DIM), dtype=jnp.float32) * 0.01
    return {"ids": ids, "table": table}


def reference(ids, table):
    # Equivalent of hps.LookupLayer / tf.nn.embedding_lookup with max_norm=None.
    # Output shape: ids.shape + (emb_vec_size,)
    emb_vector = jnp.take(table, ids, axis=0)
    return emb_vector

if __name__ == "__main__":
    import jax
    _d = setup_inputs()
    print(jax.jit(kernel)(*tuple(_d.values())))

</pallas_src>

<mosaic_0001>
#map = affine_map<(d0, d1) -> (0, 0)>
module attributes {stable_mosaic.version = 14 : i64} {
  func.func @_body(%arg0: i32, %arg1: i32, %arg2: memref<1024x416xi32, #tpu.memory_space<hbm>>, %arg3: memref<1000000x32xf32, #tpu.memory_space<hbm>>, %arg4: memref<425984x32xf32, #tpu.memory_space<hbm>>, %arg5: memref<32x416xi32, #tpu.memory_space<vmem>>, %arg6: memref<8x416x32xf32, #tpu.memory_space<vmem>>, %arg7: memref<!tpu.dma_semaphore, #tpu.memory_space<semaphore_mem>>, %arg8: memref<!tpu.dma_semaphore, #tpu.memory_space<semaphore_mem>>, %arg9: memref<!tpu.dma_semaphore, #tpu.memory_space<semaphore_mem>>, %arg10: memref<!tpu.dma_semaphore, #tpu.memory_space<semaphore_mem>>, %arg11: memref<!tpu.dma_semaphore, #tpu.memory_space<semaphore_mem>>, %arg12: memref<!tpu.dma_semaphore, #tpu.memory_space<semaphore_mem>>, %arg13: memref<!tpu.dma_semaphore, #tpu.memory_space<semaphore_mem>>, %arg14: memref<!tpu.dma_semaphore, #tpu.memory_space<semaphore_mem>>, %arg15: memref<!tpu.dma_semaphore, #tpu.memory_space<semaphore_mem>>, %arg16: memref<!tpu.dma_semaphore, #tpu.memory_space<semaphore_mem>>, %arg17: memref<!tpu.dma_semaphore, #tpu.memory_space<semaphore_mem>>, %arg18: memref<!tpu.dma_semaphore, #tpu.memory_space<semaphore_mem>>, %arg19: memref<!tpu.dma_semaphore, #tpu.memory_space<semaphore_mem>>, %arg20: memref<!tpu.dma_semaphore, #tpu.memory_space<semaphore_mem>>, %arg21: memref<!tpu.dma_semaphore, #tpu.memory_space<semaphore_mem>>, %arg22: memref<!tpu.dma_semaphore, #tpu.memory_space<semaphore_mem>>) attributes {dimension_semantics = [#tpu.dimension_semantics<core_parallel>, #tpu.dimension_semantics<subcore_parallel>], iteration_bounds = array<i64: 2, 16>, scalar_prefetch = 0 : i64, scratch_operands = 18 : i64, tpu.core_type = #tpu.core_type<sc_vector_subcore>, window_params = [{transform_indices = #map}, {transform_indices = #map}, {transform_indices = #map}]} {
    %mul3A = arith.constant 2 : i32
    %mul3A_0 = arith.muli %arg1, %mul3A : i32
    %add3A = arith.addi %mul3A_0, %arg0 : i32
    %mul3A_1 = arith.constant 32 : i32
    %mul3A_2 = arith.muli %add3A, %mul3A_1 : i32
    "tpu.region"() ({
      %run_scoped3A = tpu.sem_alloc : memref<!tpu.dma_semaphore, #tpu.memory_space<semaphore_mem>>
      %dma_start3A_121 = arith.constant 0 : i32
      %dma_start3A_122 = tpu.memref_slice %arg2[%mul3A_2, %dma_start3A_121] : memref<1024x416xi32, #tpu.memory_space<hbm>> -> memref<32x416xi32, #tpu.memory_space<hbm>>
      %dma_start3A_123 = arith.constant 0 : i32
      %dma_start3A_124 = tpu.memref_slice %arg2[%mul3A_2, %dma_start3A_123] : memref<1024x416xi32, #tpu.memory_space<hbm>> -> memref<32x416xi32, #tpu.memory_space<hbm>>
      tpu.enqueue_dma source(%dma_start3A_124 : memref<32x416xi32, #tpu.memory_space<hbm>>) target(%arg5 : memref<32x416xi32, #tpu.memory_space<vmem>>) target_semaphore(%run_scoped3A : memref<!tpu.dma_semaphore, #tpu.memory_space<semaphore_mem>>)
      %dma_wait3A_125 = arith.constant 0 : i32
      %dma_wait3A_126 = tpu.memref_slice %arg2[%mul3A_2, %dma_wait3A_125] : memref<1024x416xi32, #tpu.memory_space<hbm>> -> memref<32x416xi32, #tpu.memory_space<hbm>>
      %dma_wait3A_127 = arith.constant 0 : i32
      %dma_wait3A_128 = tpu.memref_slice %arg2[%mul3A_2, %dma_wait3A_127] : memref<1024x416xi32, #tpu.memory_space<hbm>> -> memref<32x416xi32, #tpu.memory_space<hbm>>
      tpu.wait_dma2 semaphore(%run_scoped3A : memref<!tpu.dma_semaphore, #tpu.memory_space<semaphore_mem>>) src(%dma_wait3A_128 : memref<32x416xi32, #tpu.memory_space<hbm>>) dst(%arg5 : memref<32x416xi32, #tpu.memory_space<vmem>>)
      tpu.yield
    }) : () -> ()
    %dma_start3A = arith.constant 0 : i32
    %dma_start3A_3 = arith.constant 0 : i32
    %dma_start3A_4 = arith.constant 0 : i32
    %dma_start3A_5 = arith.constant 0 : i32
    %dma_start3A_6 = tpu.memref_slice %arg6[%dma_start3A_3, %dma_start3A_4, %dma_start3A_5] : memref<8x416x32xf32, #tpu.memory_space<vmem>> -> memref<1x416x32xf32, #tpu.memory_space<vmem>>
    %dma_start3A_7 = tpu.memref_squeeze %dma_start3A_6 : memref<1x416x32xf32, #tpu.memory_space<vmem>> -> memref<416x32xf32, #tpu.memory_space<vmem>>
    %dma_start3A_8 = arith.constant 0 : i32
    %dma_start3A_9 = tpu.memref_slice %arg5[%dma_start3A, %dma_start3A_8] : memref<32x416xi32, #tpu.memory_space<vmem>> -> memref<1x416xi32, #tpu.memory_space<vmem>>
    %dma_start3A_10 = tpu.memref_squeeze %dma_start3A_9 : memref<1x416xi32, #tpu.memory_space<vmem>> -> memref<416xi32, #tpu.memory_space<vmem>>
    %dma_start3A_11 = arith.constant 0 : i32
    %dma_start3A_12 = arith.constant 0 : i32
    %dma_start3A_13 = tpu.memref_slice %arg3[%dma_start3A_11, %dma_start3A_12] : memref<1000000x32xf32, #tpu.memory_space<hbm>> -> memref<1000000x32xf32, #tpu.memory_space<hbm>>
    tpu.enqueue_indirect_dma source(%dma_start3A_13 : memref<1000000x32xf32, #tpu.memory_space<hbm>>) target(%dma_start3A_7 : memref<416x32xf32, #tpu.memory_space<vmem>>) offsets(%dma_start3A_10 : memref<416xi32, #tpu.memory_space<vmem>>) semaphore(%arg7 : memref<!tpu.dma_semaphore, #tpu.memory_space<semaphore_mem>>)
    %dma_start3A_14 = arith.constant 1 : i32
    %dma_start3A_15 = arith.constant 1 : i32
    %dma_start3A_16 = arith.constant 0 : i32
    %dma_start3A_17 = arith.constant 0 : i32
    %dma_start3A_18 = tpu.memref_slice %arg6[%dma_start3A_15, %dma_start3A_16, %dma_start3A_17] : memref<8x416x32xf32, #tpu.memory_space<vmem>> -> memref<1x416x32xf32, #tpu.memory_space<vmem>>
    %dma_start3A_19 = tpu.memref_squeeze %dma_start3A_18 : memref<1x416x32xf32, #tpu.memory_space<vmem>> -> memref<416x32xf32, #tpu.memory_space<vmem>>
    %dma_start3A_20 = arith.constant 0 : i32
    %dma_start3A_21 = tpu.memref_slice %arg5[%dma_start3A_14, %dma_start3A_20] : memref<32x416xi32, #tpu.memory_space<vmem>> -> memref<1x416xi32, #tpu.memory_space<vmem>>
    %dma_start3A_22 = tpu.memref_squeeze %dma_start3A_21 : memref<1x416xi32, #tpu.memory_space<vmem>> -> memref<416xi32, #tpu.memory_space<vmem>>
    %dma_start3A_23 = arith.constant 0 : i32
    %dma_start3A_24 = arith.constant 0 : i32
    %dma_start3A_25 = tpu.memref_slice %arg3[%dma_start3A_23, %dma_start3A_24] : memref<1000000x32xf32, #tpu.memory_space<hbm>> -> memref<1000000x32xf32, #tpu.memory_space<hbm>>
    tpu.enqueue_indirect_dma source(%dma_start3A_25 : memref<1000000x32xf32, #tpu.memory_space<hbm>>) target(%dma_start3A_19 : memref<416x32xf32, #tpu.memory_space<vmem>>) offsets(%dma_start3A_22 : memref<416xi32, #tpu.memory_space<vmem>>) semaphore(%arg8 : memref<!tpu.dma_semaphore, #tpu.memory_space<semaphore_mem>>)
    %dma_start3A_26 = arith.constant 2 : i32
    %dma_start3A_27 = arith.constant 2 : i32
    %dma_start3A_28 = arith.constant 0 : i32
    %dma_start3A_29 = arith.constant 0 : i32
    %dma_start3A_30 = tpu.memref_slice %arg6[%dma_start3A_27, %dma_start3A_28, %dma_start3A_29] : memref<8x416x32xf32, #tpu.memory_space<vmem>> -> memref<1x416x32xf32, #tpu.memory_space<vmem>>
    %dma_start3A_31 = tpu.memref_squeeze %dma_start3A_30 : memref<1x416x32xf32, #tpu.memory_space<vmem>> -> memref<416x32xf32, #tpu.memory_space<vmem>>
    %dma_start3A_32 = arith.constant 0 : i32
    %dma_start3A_33 = tpu.memref_slice %arg5[%dma_start3A_26, %dma_start3A_32] : memref<32x416xi32, #tpu.memory_space<vmem>> -> memref<1x416xi32, #tpu.memory_space<vmem>>
    %dma_start3A_34 = tpu.memref_squeeze %dma_start3A_33 : memref<1x416xi32, #tpu.memory_space<vmem>> -> memref<416xi32, #tpu.memory_space<vmem>>
    %dma_start3A_35 = arith.constant 0 : i32
    %dma_start3A_36 = arith.constant 0 : i32
    %dma_start3A_37 = tpu.memref_slice %arg3[%dma_start3A_35, %dma_start3A_36] : memref<1000000x32xf32, #tpu.memory_space<hbm>> -> memref<1000000x32xf32, #tpu.memory_space<hbm>>
    tpu.enqueue_indirect_dma source(%dma_start3A_37 : memref<1000000x32xf32, #tpu.memory_space<hbm>>) target(%dma_start3A_31 : memref<416x32xf32, #tpu.memory_space<vmem>>) offsets(%dma_start3A_34 : memref<416xi32, #tpu.memory_space<vmem>>) semaphore(%arg9 : memref<!tpu.dma_semaphore, #tpu.memory_space<semaphore_mem>>)
    %dma_start3A_38 = arith.constant 3 : i32
    %dma_start3A_39 = arith.constant 3 : i32
    %dma_start3A_40 = arith.constant 0 : i32
    %dma_start3A_41 = arith.constant 0 : i32
    %dma_start3A_42 = tpu.memref_slice %arg6[%dma_start3A_39, %dma_start3A_40, %dma_start3A_41] : memref<8x416x32xf32, #tpu.memory_space<vmem>> -> memref<1x416x32xf32, #tpu.memory_space<vmem>>
    %dma_start3A_43 = tpu.memref_squeeze %dma_start3A_42 : memref<1x416x32xf32, #tpu.memory_space<vmem>> -> memref<416x32xf32, #tpu.memory_space<vmem>>
    %dma_start3A_44 = arith.constant 0 : i32
    %dma_start3A_45 = tpu.memref_slice %arg5[%dma_start3A_38, %dma_start3A_44] : memref<32x416xi32, #tpu.memory_space<vmem>> -> memref<1x416xi32, #tpu.memory_space<vmem>>
    %dma_start3A_46 = tpu.memref_squeeze %dma_start3A_45 : memref<1x416xi32, #tpu.memory_space<vmem>> -> memref<416xi32, #tpu.memory_space<vmem>>
    %dma_start3A_47 = arith.constant 0 : i32
    %dma_start3A_48 = arith.constant 0 : i32
    %dma_start3A_49 = tpu.memref_slice %arg3[%dma_start3A_47, %dma_start3A_48] : memref<1000000x32xf32, #tpu.memory_space<hbm>> -> memref<1000000x32xf32, #tpu.memory_space<hbm>>
    tpu.enqueue_indirect_dma source(%dma_start3A_49 : memref<1000000x32xf32, #tpu.memory_space<hbm>>) target(%dma_start3A_43 : memref<416x32xf32, #tpu.memory_space<vmem>>) offsets(%dma_start3A_46 : memref<416xi32, #tpu.memory_space<vmem>>) semaphore(%arg10 : memref<!tpu.dma_semaphore, #tpu.memory_space<semaphore_mem>>)
    %scan3A = arith.constant 0 : i32
    %scan3A_50 = arith.constant 4 : i32
    %scan3A_51 = arith.addi %scan3A, %scan3A_50 : i32
    %scan3A_52 = arith.constant 1 : i32
    scf.for %scan3A_121 = %scan3A to %scan3A_51 step %scan3A_52  : i32 {
      %mul3A_122 = arith.constant 1 : i32
      %mul3A_123 = arith.muli %scan3A_121, %mul3A_122 : i32
      %add3A_124 = arith.constant 0 : i32
      %add3A_125 = arith.addi %add3A_124, %mul3A_123 : i32
      %mul3A_126 = arith.constant 8 : i32
      %mul3A_127 = arith.muli %add3A_125, %mul3A_126 : i32
      %add3A_128 = arith.constant 0 : i32
      %add3A_129 = arith.addi %mul3A_127, %add3A_128 : i32
      %dma_wait3A_130 = arith.constant 0 : i32
      %dma_wait3A_131 = arith.constant 0 : i32
      %dma_wait3A_132 = arith.constant 0 : i32
      %dma_wait3A_133 = tpu.memref_slice %arg6[%dma_wait3A_130, %dma_wait3A_131, %dma_wait3A_132] : memref<8x416x32xf32, #tpu.memory_space<vmem>> -> memref<1x416x32xf32, #tpu.memory_space<vmem>>
      %dma_wait3A_134 = tpu.memref_squeeze %dma_wait3A_133 : memref<1x416x32xf32, #tpu.memory_space<vmem>> -> memref<416x32xf32, #tpu.memory_space<vmem>>
      %dma_wait3A_135 = arith.constant 0 : i32
      %dma_wait3A_136 = tpu.memref_slice %arg5[%add3A_129, %dma_wait3A_135] : memref<32x416xi32, #tpu.memory_space<vmem>> -> memref<1x416xi32, #tpu.memory_space<vmem>>
      %dma_wait3A_137 = tpu.memref_squeeze %dma_wait3A_136 : memref<1x416xi32, #tpu.memory_space<vmem>> -> memref<416xi32, #tpu.memory_space<vmem>>
      %dma_wait3A_138 = arith.constant 0 : i32
      %dma_wait3A_139 = arith.constant 0 : i32
      %dma_wait3A_140 = tpu.memref_slice %arg3[%dma_wait3A_138, %dma_wait3A_139] : memref<1000000x32xf32, #tpu.memory_space<hbm>> -> memref<1000000x32xf32, #tpu.memory_space<hbm>>
      tpu.wait_indirect_dma semaphore(%arg7 : memref<!tpu.dma_semaphore, #tpu.memory_space<semaphore_mem>>) src(%dma_wait3A_140 : memref<1000000x32xf32, #tpu.memory_space<hbm>>) dst(%dma_wait3A_134 : memref<416x32xf32, #tpu.memory_space<vmem>>)
      %add3A_141 = arith.addi %mul3A_2, %add3A_129 : i32
      %mul3A_142 = arith.constant 416 : i32
      %mul3A_143 = arith.muli %add3A_141, %mul3A_142 : i32
      %dma_start3A_144 = arith.constant 0 : i32
      %dma_start3A_145 = arith.constant 0 : i32
      %dma_start3A_146 = arith.constant 0 : i32
      %dma_start3A_147 = tpu.memref_slice %arg6[%dma_start3A_144, %dma_start3A_145, %dma_start3A_146] : memref<8x416x32xf32, #tpu.memory_space<vmem>> -> memref<1x416x32xf32, #tpu.memory_space<vmem>>
      %dma_start3A_148 = tpu.memref_squeeze %dma_start3A_147 : memref<1x416x32xf32, #tpu.memory_space<vmem>> -> memref<416x32xf32, #tpu.memory_space<vmem>>
      %dma_start3A_149 = arith.constant 0 : i32
      %dma_start3A_150 = tpu.memref_slice %arg4[%mul3A_143, %dma_start3A_149] : memref<425984x32xf32, #tpu.memory_space<hbm>> -> memref<416x32xf32, #tpu.memory_space<hbm>>
      %dma_start3A_151 = arith.constant 0 : i32
      %dma_start3A_152 = tpu.memref_slice %arg4[%mul3A_143, %dma_start3A_151] : memref<425984x32xf32, #tpu.memory_space<hbm>> -> memref<416x32xf32, #tpu.memory_space<hbm>>
      %dma_start3A_153 = arith.constant 0 : i32
      %dma_start3A_154 = arith.constant 0 : i32
      %dma_start3A_155 = tpu.memref_slice %arg6[%dma_start3A_144, %dma_start3A_153, %dma_start3A_154] : memref<8x416x32xf32, #tpu.memory_space<vmem>> -> memref<1x416x32xf32, #tpu.memory_space<vmem>>
      %dma_start3A_156 = tpu.memref_squeeze %dma_start3A_155 : memref<1x416x32xf32, #tpu.memory_space<vmem>> -> memref<416x32xf32, #tpu.memory_space<vmem>>
      tpu.enqueue_dma source(%dma_start3A_156 : memref<416x32xf32, #tpu.memory_space<vmem>>) target(%dma_start3A_152 : memref<416x32xf32, #tpu.memory_space<hbm>>) target_semaphore(%arg15 : memref<!tpu.dma_semaphore, #tpu.memory_space<semaphore_mem>>)
      %sub3A = arith.constant 4 : i32
      %sub3A_157 = arith.subi %add3A_129, %sub3A : i32
      %ge3A = arith.constant 0 : i32
      %ge3A_158 = arith.cmpi sge, %sub3A_157, %ge3A : i32
      %convert_element_type3A = arith.extui %ge3A_158 : i1 to i32
      %cond3A = arith.constant 0 : i32
      %cond3A_159 = arith.cmpi ne, %convert_element_type3A, %cond3A : i32
      scf.if %cond3A_159 {
        %sub3A_481 = arith.constant 4 : i32
        %sub3A_482 = arith.subi %add3A_129, %sub3A_481 : i32
        %add3A_483 = arith.addi %mul3A_2, %sub3A_482 : i32
        %mul3A_484 = arith.constant 416 : i32
        %mul3A_485 = arith.muli %add3A_483, %mul3A_484 : i32
        %dma_wait3A_486 = arith.constant 4 : i32
        %dma_wait3A_487 = arith.constant 0 : i32
        %dma_wait3A_488 = arith.constant 0 : i32
        %dma_wait3A_489 = tpu.memref_slice %arg6[%dma_wait3A_486, %dma_wait3A_487, %dma_wait3A_488] : memref<8x416x32xf32, #tpu.memory_space<vmem>> -> memref<1x416x32xf32, #tpu.memory_space<vmem>>
        %dma_wait3A_490 = tpu.memref_squeeze %dma_wait3A_489 : memref<1x416x32xf32, #tpu.memory_space<vmem>> -> memref<416x32xf32, #tpu.memory_space<vmem>>
        %dma_wait3A_491 = arith.constant 0 : i32
        %dma_wait3A_492 = tpu.memref_slice %arg4[%mul3A_485, %dma_wait3A_491] : memref<425984x32xf32, #tpu.memory_space<hbm>> -> memref<416x32xf32, #tpu.memory_space<hbm>>
        %dma_wait3A_493 = arith.constant 0 : i32
        %dma_wait3A_494 = tpu.memref_slice %arg4[%mul3A_485, %dma_wait3A_493] : memref<425984x32xf32, #tpu.memory_space<hbm>> -> memref<416x32xf32, #tpu.memory_space<hbm>>
        %dma_wait3A_495 = arith.constant 0 : i32
        %dma_wait3A_496 = arith.constant 0 : i32
        %dma_wait3A_497 = tpu.memref_slice %arg6[%dma_wait3A_486, %dma_wait3A_495, %dma_wait3A_496] : memref<8x416x32xf32, #tpu.memory_space<vmem>> -> memref<1x416x32xf32, #tpu.memory_space<vmem>>
        %dma_wait3A_498 = tpu.memref_squeeze %dma_wait3A_497 : memref<1x416x32xf32, #tpu.memory_space<vmem>> -> memref<416x32xf32, #tpu.memory_space<vmem>>
        tpu.wait_dma2 semaphore(%arg19 : memref<!tpu.dma_semaphore, #tpu.memory_space<semaphore_mem>>) src(%dma_wait3A_498 : memref<416x32xf32, #tpu.memory_space<vmem>>) dst(%dma_wait3A_494 : memref<416x32xf32, #tpu.memory_space<hbm>>)
      } else {
      }
      %add3A_160 = arith.constant 4 : i32
      %add3A_161 = arith.addi %add3A_129, %add3A_160 : i32
      %le3A = arith.constant 31 : i32
      %le3A_162 = arith.cmpi sle, %add3A_161, %le3A : i32
      %convert_element_type3A_163 = arith.extui %le3A_162 : i1 to i32
      %cond3A_164 = arith.constant 0 : i32
      %cond3A_165 = arith.cmpi ne, %convert_element_type3A_163, %cond3A_164 : i32
      scf.if %cond3A_165 {
        %add3A_481 = arith.constant 4 : i32
        %add3A_482 = arith.addi %add3A_129, %add3A_481 : i32
        %dma_start3A_483 = arith.constant 4 : i32
        %dma_start3A_484 = arith.constant 0 : i32
        %dma_start3A_485 = arith.constant 0 : i32
        %dma_start3A_486 = tpu.memref_slice %arg6[%dma_start3A_483, %dma_start3A_484, %dma_start3A_485] : memref<8x416x32xf32, #tpu.memory_space<vmem>> -> memref<1x416x32xf32, #tpu.memory_space<vmem>>
        %dma_start3A_487 = tpu.memref_squeeze %dma_start3A_486 : memref<1x416x32xf32, #tpu.memory_space<vmem>> -> memref<416x32xf32, #tpu.memory_space<vmem>>
        %dma_start3A_488 = arith.constant 0 : i32
        %dma_start3A_489 = tpu.memref_slice %arg5[%add3A_482, %dma_start3A_488] : memref<32x416xi32, #tpu.memory_space<vmem>> -> memref<1x416xi32, #tpu.memory_space<vmem>>
        %dma_start3A_490 = tpu.memref_squeeze %dma_start3A_489 : memref<1x416xi32, #tpu.memory_space<vmem>> -> memref<416xi32, #tpu.memory_space<vmem>>
        %dma_start3A_491 = arith.constant 0 : i32
        %dma_start3A_492 = arith.constant 0 : i32
        %dma_start3A_493 = tpu.memref_slice %arg3[%dma_start3A_491, %dma_start3A_492] : memref<1000000x32xf32, #tpu.memory_space<hbm>> -> memref<1000000x32xf32, #tpu.memory_space<hbm>>
        tpu.enqueue_indirect_dma source(%dma_start3A_493 : memref<1000000x32xf32, #tpu.memory_space<hbm>>) target(%dma_start3A_487 : memref<416x32xf32, #tpu.memory_space<vmem>>) offsets(%dma_start3A_490 : memref<416xi32, #tpu.memory_space<vmem>>) semaphore(%arg11 : memref<!tpu.dma_semaphore, #tpu.memory_space<semaphore_mem>>)
      } else {
      }
      %mul3A_166 = arith.constant 8 : i32
      %mul3A_167 = arith.muli %add3A_125, %mul3A_166 : i32
      %add3A_168 = arith.constant 1 : i32
      %add3A_169 = arith.addi %mul3A_167, %add3A_168 : i32
      %dma_wait3A_170 = arith.constant 1 : i32
      %dma_wait3A_171 = arith.constant 0 : i32
      %dma_wait3A_172 = arith.constant 0 : i32
      %dma_wait3A_173 = tpu.memref_slice %arg6[%dma_wait3A_170, %dma_wait3A_171, %dma_wait3A_172] : memref<8x416x32xf32, #tpu.memory_space<vmem>> -> memref<1x416x32xf32, #tpu.memory_space<vmem>>
      %dma_wait3A_174 = tpu.memref_squeeze %dma_wait3A_173 : memref<1x416x32xf32, #tpu.memory_space<vmem>> -> memref<416x32xf32, #tpu.memory_space<vmem>>
      %dma_wait3A_175 = arith.constant 0 : i32
      %dma_wait3A_176 = tpu.memref_slice %arg5[%add3A_169, %dma_wait3A_175] : memref<32x416xi32, #tpu.memory_space<vmem>> -> memref<1x416xi32, #tpu.memory_space<vmem>>
      %dma_wait3A_177 = tpu.memref_squeeze %dma_wait3A_176 : memref<1x416xi32, #tpu.memory_space<vmem>> -> memref<416xi32, #tpu.memory_space<vmem>>
      %dma_wait3A_178 = arith.constant 0 : i32
      %dma_wait3A_179 = arith.constant 0 : i32
      %dma_wait3A_180 = tpu.memref_slice %arg3[%dma_wait3A_178, %dma_wait3A_179] : memref<1000000x32xf32, #tpu.memory_space<hbm>> -> memref<1000000x32xf32, #tpu.memory_space<hbm>>
      tpu.wait_indirect_dma semaphore(%arg8 : memref<!tpu.dma_semaphore, #tpu.memory_space<semaphore_mem>>) src(%dma_wait3A_180 : memref<1000000x32xf32, #tpu.memory_space<hbm>>) dst(%dma_wait3A_174 : memref<416x32xf32, #tpu.memory_space<vmem>>)
      %add3A_181 = arith.addi %mul3A_2, %add3A_169 : i32
      %mul3A_182 = arith.constant 416 : i32
      %mul3A_183 = arith.muli %add3A_181, %mul3A_182 : i32
      %dma_start3A_184 = arith.constant 1 : i32
      %dma_start3A_185 = arith.constant 0 : i32
      %dma_start3A_186 = arith.constant 0 : i32
      %dma_start3A_187 = tpu.memref_slice %arg6[%dma_start3A_184, %dma_start3A_185, %dma_start3A_186] : memref<8x416x32xf32, #tpu.memory_space<vmem>> -> memref<1x416x32xf32, #tpu.memory_space<vmem>>
      %dma_start3A_188 = tpu.memref_squeeze %dma_start3A_187 : memref<1x416x32xf32, #tpu.memory_space<vmem>> -> memref<416x32xf32, #tpu.memory_space<vmem>>
      %dma_start3A_189 = arith.constant 0 : i32
      %dma_start3A_190 = tpu.memref_slice %arg4[%mul3A_183, %dma_start3A_189] : memref<425984x32xf32, #tpu.memory_space<hbm>> -> memref<416x32xf32, #tpu.memory_space<hbm>>
      %dma_start3A_191 = arith.constant 0 : i32
      %dma_start3A_192 = tpu.memref_slice %arg4[%mul3A_183, %dma_start3A_191] : memref<425984x32xf32, #tpu.memory_space<hbm>> -> memref<416x32xf32, #tpu.memory_space<hbm>>
      %dma_start3A_193 = arith.constant 0 : i32
      %dma_start3A_194 = arith.constant 0 : i32
      %dma_start3A_195 = tpu.memref_slice %arg6[%dma_start3A_184, %dma_start3A_193, %dma_start3A_194] : memref<8x416x32xf32, #tpu.memory_space<vmem>> -> memref<1x416x32xf32, #tpu.memory_space<vmem>>
      %dma_start3A_196 = tpu.memref_squeeze %dma_start3A_195 : memref<1x416x32xf32, #tpu.memory_space<vmem>> -> memref<416x32xf32, #tpu.memory_space<vmem>>
      tpu.enqueue_dma source(%dma_start3A_196 : memref<416x32xf32, #tpu.memory_space<vmem>>) target(%dma_start3A_192 : memref<416x32xf32, #tpu.memory_space<hbm>>) target_semaphore(%arg16 : memref<!tpu.dma_semaphore, #tpu.memory_space<semaphore_mem>>)
      %sub3A_197 = arith.constant 4 : i32
      %sub3A_198 = arith.subi %add3A_169, %sub3A_197 : i32
      %ge3A_199 = arith.constant 0 : i32
      %ge3A_200 = arith.cmpi sge, %sub3A_198, %ge3A_199 : i32
      %convert_element_type3A_201 = arith.extui %ge3A_200 : i1 to i32
      %cond3A_202 = arith.constant 0 : i32
      %cond3A_203 = arith.cmpi ne, %convert_element_type3A_201, %cond3A_202 : i32
      scf.if %cond3A_203 {
        %sub3A_481 = arith.constant 4 : i32
        %sub3A_482 = arith.subi %add3A_169, %sub3A_481 : i32
        %add3A_483 = arith.addi %mul3A_2, %sub3A_482 : i32
        %mul3A_484 = arith.constant 416 : i32
        %mul3A_485 = arith.muli %add3A_483, %mul3A_484 : i32
        %dma_wait3A_486 = arith.constant 5 : i32
        %dma_wait3A_487 = arith.constant 0 : i32
        %dma_wait3A_488 = arith.constant 0 : i32
        %dma_wait3A_489 = tpu.memref_slice %arg6[%dma_wait3A_486, %dma_wait3A_487, %dma_wait3A_488] : memref<8x416x32xf32, #tpu.memory_space<vmem>> -> memref<1x416x32xf32, #tpu.memory_space<vmem>>
        %dma_wait3A_490 = tpu.memref_squeeze %dma_wait3A_489 : memref<1x416x32xf32, #tpu.memory_space<vmem>> -> memref<416x32xf32, #tpu.memory_space<vmem>>
        %dma_wait3A_491 = arith.constant 0 : i32
        %dma_wait3A_492 = tpu.memref_slice %arg4[%mul3A_485, %dma_wait3A_491] : memref<425984x32xf32, #tpu.memory_space<hbm>> -> memref<416x32xf32, #tpu.memory_space<hbm>>
        %dma_wait3A_493 = arith.constant 0 : i32
        %dma_wait3A_494 = tpu.memref_slice %arg4[%mul3A_485, %dma_wait3A_493] : memref<425984x32xf32, #tpu.memory_space<hbm>> -> memref<416x32xf32, #tpu.memory_space<hbm>>
        %dma_wait3A_495 = arith.constant 0 : i32
        %dma_wait3A_496 = arith.constant 0 : i32
        %dma_wait3A_497 = tpu.memref_slice %arg6[%dma_wait3A_486, %dma_wait3A_495, %dma_wait3A_496] : memref<8x416x32xf32, #tpu.memory_space<vmem>> -> memref<1x416x32xf32, #tpu.memory_space<vmem>>
        %dma_wait3A_498 = tpu.memref_squeeze %dma_wait3A_497 : memref<1x416x32xf32, #tpu.memory_space<vmem>> -> memref<416x32xf32, #tpu.memory_space<vmem>>
        tpu.wait_dma2 semaphore(%arg20 : memref<!tpu.dma_semaphore, #tpu.memory_space<semaphore_mem>>) src(%dma_wait3A_498 : memref<416x32xf32, #tpu.memory_space<vmem>>) dst(%dma_wait3A_494 : memref<416x32xf32, #tpu.memory_space<hbm>>)
      } else {
      }
      %add3A_204 = arith.constant 4 : i32
      %add3A_205 = arith.addi %add3A_169, %add3A_204 : i32
      %le3A_206 = arith.constant 31 : i32
      %le3A_207 = arith.cmpi sle, %add3A_205, %le3A_206 : i32
      %convert_element_type3A_208 = arith.extui %le3A_207 : i1 to i32
      %cond3A_209 = arith.constant 0 : i32
      %cond3A_210 = arith.cmpi ne, %convert_element_type3A_208, %cond3A_209 : i32
      scf.if %cond3A_210 {
        %add3A_481 = arith.constant 4 : i32
        %add3A_482 = arith.addi %add3A_169, %add3A_481 : i32
        %dma_start3A_483 = arith.constant 5 : i32
        %dma_start3A_484 = arith.constant 0 : i32
        %dma_start3A_485 = arith.constant 0 : i32
        %dma_start3A_486 = tpu.memref_slice %arg6[%dma_start3A_483, %dma_start3A_484, %dma_start3A_485] : memref<8x416x32xf32, #tpu.memory_space<vmem>> -> memref<1x416x32xf32, #tpu.memory_space<vmem>>
        %dma_start3A_487 = tpu.memref_squeeze %dma_start3A_486 : memref<1x416x32xf32, #tpu.memory_space<vmem>> -> memref<416x32xf32, #tpu.memory_space<vmem>>
        %dma_start3A_488 = arith.constant 0 : i32
        %dma_start3A_489 = tpu.memref_slice %arg5[%add3A_482, %dma_start3A_488] : memref<32x416xi32, #tpu.memory_space<vmem>> -> memref<1x416xi32, #tpu.memory_space<vmem>>
        %dma_start3A_490 = tpu.memref_squeeze %dma_start3A_489 : memref<1x416xi32, #tpu.memory_space<vmem>> -> memref<416xi32, #tpu.memory_space<vmem>>
        %dma_start3A_491 = arith.constant 0 : i32
        %dma_start3A_492 = arith.constant 0 : i32
        %dma_start3A_493 = tpu.memref_slice %arg3[%dma_start3A_491, %dma_start3A_492] : memref<1000000x32xf32, #tpu.memory_space<hbm>> -> memref<1000000x32xf32, #tpu.memory_space<hbm>>
        tpu.enqueue_indirect_dma source(%dma_start3A_493 : memref<1000000x32xf32, #tpu.memory_space<hbm>>) target(%dma_start3A_487 : memref<416x32xf32, #tpu.memory_space<vmem>>) offsets(%dma_start3A_490 : memref<416xi32, #tpu.memory_space<vmem>>) semaphore(%arg12 : memref<!tpu.dma_semaphore, #tpu.memory_space<semaphore_mem>>)
      } else {
      }
      %mul3A_211 = arith.constant 8 : i32
      %mul3A_212 = arith.muli %add3A_125, %mul3A_211 : i32
      %add3A_213 = arith.constant 2 : i32
      %add3A_214 = arith.addi %mul3A_212, %add3A_213 : i32
      %dma_wait3A_215 = arith.constant 2 : i32
      %dma_wait3A_216 = arith.constant 0 : i32
      %dma_wait3A_217 = arith.constant 0 : i32
      %dma_wait3A_218 = tpu.memref_slice %arg6[%dma_wait3A_215, %dma_wait3A_216, %dma_wait3A_217] : memref<8x416x32xf32, #tpu.memory_space<vmem>> -> memref<1x416x32xf32, #tpu.memory_space<vmem>>
      %dma_wait3A_219 = tpu.memref_squeeze %dma_wait3A_218 : memref<1x416x32xf32, #tpu.memory_space<vmem>> -> memref<416x32xf32, #tpu.memory_space<vmem>>
      %dma_wait3A_220 = arith.constant 0 : i32
      %dma_wait3A_221 = tpu.memref_slice %arg5[%add3A_214, %dma_wait3A_220] : memref<32x416xi32, #tpu.memory_space<vmem>> -> memref<1x416xi32, #tpu.memory_space<vmem>>
      %dma_wait3A_222 = tpu.memref_squeeze %dma_wait3A_221 : memref<1x416xi32, #tpu.memory_space<vmem>> -> memref<416xi32, #tpu.memory_space<vmem>>
      %dma_wait3A_223 = arith.constant 0 : i32
      %dma_wait3A_224 = arith.constant 0 : i32
      %dma_wait3A_225 = tpu.memref_slice %arg3[%dma_wait3A_223, %dma_wait3A_224] : memref<1000000x32xf32, #tpu.memory_space<hbm>> -> memref<1000000x32xf32, #tpu.memory_space<hbm>>
      tpu.wait_indirect_dma semaphore(%arg9 : memref<!tpu.dma_semaphore, #tpu.memory_space<semaphore_mem>>) src(%dma_wait3A_225 : memref<1000000x32xf32, #tpu.memory_space<hbm>>) dst(%dma_wait3A_219 : memref<416x32xf32, #tpu.memory_space<vmem>>)
      %add3A_226 = arith.addi %mul3A_2, %add3A_214 : i32
      %mul3A_227 = arith.constant 416 : i32
      %mul3A_228 = arith.muli %add3A_226, %mul3A_227 : i32
      %dma_start3A_229 = arith.constant 2 : i32
      %dma_start3A_230 = arith.constant 0 : i32
      %dma_start3A_231 = arith.constant 0 : i32
      %dma_start3A_232 = tpu.memref_slice %arg6[%dma_start3A_229, %dma_start3A_230, %dma_start3A_231] : memref<8x416x32xf32, #tpu.memory_space<vmem>> -> memref<1x416x32xf32, #tpu.memory_space<vmem>>
      %dma_start3A_233 = tpu.memref_squeeze %dma_start3A_232 : memref<1x416x32xf32, #tpu.memory_space<vmem>> -> memref<416x32xf32, #tpu.memory_space<vmem>>
      %dma_start3A_234 = arith.constant 0 : i32
      %dma_start3A_235 = tpu.memref_slice %arg4[%mul3A_228, %dma_start3A_234] : memref<425984x32xf32, #tpu.memory_space<hbm>> -> memref<416x32xf32, #tpu.memory_space<hbm>>
      %dma_start3A_236 = arith.constant 0 : i32
      %dma_start3A_237 = tpu.memref_slice %arg4[%mul3A_228, %dma_start3A_236] : memref<425984x32xf32, #tpu.memory_space<hbm>> -> memref<416x32xf32, #tpu.memory_space<hbm>>
      %dma_start3A_238 = arith.constant 0 : i32
      %dma_start3A_239 = arith.constant 0 : i32
      %dma_start3A_240 = tpu.memref_slice %arg6[%dma_start3A_229, %dma_start3A_238, %dma_start3A_239] : memref<8x416x32xf32, #tpu.memory_space<vmem>> -> memref<1x416x32xf32, #tpu.memory_space<vmem>>
      %dma_start3A_241 = tpu.memref_squeeze %dma_start3A_240 : memref<1x416x32xf32, #tpu.memory_space<vmem>> -> memref<416x32xf32, #tpu.memory_space<vmem>>
      tpu.enqueue_dma source(%dma_start3A_241 : memref<416x32xf32, #tpu.memory_space<vmem>>) target(%dma_start3A_237 : memref<416x32xf32, #tpu.memory_space<hbm>>) target_semaphore(%arg17 : memref<!tpu.dma_semaphore, #tpu.memory_space<semaphore_mem>>)
      %sub3A_242 = arith.constant 4 : i32
      %sub3A_243 = arith.subi %add3A_214, %sub3A_242 : i32
      %ge3A_244 = arith.constant 0 : i32
      %ge3A_245 = arith.cmpi sge, %sub3A_243, %ge3A_244 : i32
      %convert_element_type3A_246 = arith.extui %ge3A_245 : i1 to i32
      %cond3A_247 = arith.constant 0 : i32
      %cond3A_248 = arith.cmpi ne, %convert_element_type3A_246, %cond3A_247 : i32
      scf.if %cond3A_248 {
        %sub3A_481 = arith.constant 4 : i32
        %sub3A_482 = arith.subi %add3A_214, %sub3A_481 : i32
        %add3A_483 = arith.addi %mul3A_2, %sub3A_482 : i32
        %mul3A_484 = arith.constant 416 : i32
        %mul3A_485 = arith.muli %add3A_483, %mul3A_484 : i32
        %dma_wait3A_486 = arith.constant 6 : i32
        %dma_wait3A_487 = arith.constant 0 : i32
        %dma_wait3A_488 = arith.constant 0 : i32
        %dma_wait3A_489 = tpu.memref_slice %arg6[%dma_wait3A_486, %dma_wait3A_487, %dma_wait3A_488] : memref<8x416x32xf32, #tpu.memory_space<vmem>> -> memref<1x416x32xf32, #tpu.memory_space<vmem>>
        %dma_wait3A_490 = tpu.memref_squeeze %dma_wait3A_489 : memref<1x416x32xf32, #tpu.memory_space<vmem>> -> memref<416x32xf32, #tpu.memory_space<vmem>>
        %dma_wait3A_491 = arith.constant 0 : i32
        %dma_wait3A_492 = tpu.memref_slice %arg4[%mul3A_485, %dma_wait3A_491] : memref<425984x32xf32, #tpu.memory_space<hbm>> -> memref<416x32xf32, #tpu.memory_space<hbm>>
        %dma_wait3A_493 = arith.constant 0 : i32
        %dma_wait3A_494 = tpu.memref_slice %arg4[%mul3A_485, %dma_wait3A_493] : memref<425984x32xf32, #tpu.memory_space<hbm>> -> memref<416x32xf32, #tpu.memory_space<hbm>>
        %dma_wait3A_495 = arith.constant 0 : i32
        %dma_wait3A_496 = arith.constant 0 : i32
        %dma_wait3A_497 = tpu.memref_slice %arg6[%dma_wait3A_486, %dma_wait3A_495, %dma_wait3A_496] : memref<8x416x32xf32, #tpu.memory_space<vmem>> -> memref<1x416x32xf32, #tpu.memory_space<vmem>>
        %dma_wait3A_498 = tpu.memref_squeeze %dma_wait3A_497 : memref<1x416x32xf32, #tpu.memory_space<vmem>> -> memref<416x32xf32, #tpu.memory_space<vmem>>
        tpu.wait_dma2 semaphore(%arg21 : memref<!tpu.dma_semaphore, #tpu.memory_space<semaphore_mem>>) src(%dma_wait3A_498 : memref<416x32xf32, #tpu.memory_space<vmem>>) dst(%dma_wait3A_494 : memref<416x32xf32, #tpu.memory_space<hbm>>)
      } else {
      }
      %add3A_249 = arith.constant 4 : i32
      %add3A_250 = arith.addi %add3A_214, %add3A_249 : i32
      %le3A_251 = arith.constant 31 : i32
      %le3A_252 = arith.cmpi sle, %add3A_250, %le3A_251 : i32
      %convert_element_type3A_253 = arith.extui %le3A_252 : i1 to i32
      %cond3A_254 = arith.constant 0 : i32
      %cond3A_255 = arith.cmpi ne, %convert_element_type3A_253, %cond3A_254 : i32
      scf.if %cond3A_255 {
        %add3A_481 = arith.constant 4 : i32
        %add3A_482 = arith.addi %add3A_214, %add3A_481 : i32
        %dma_start3A_483 = arith.constant 6 : i32
        %dma_start3A_484 = arith.constant 0 : i32
        %dma_start3A_485 = arith.constant 0 : i32
        %dma_start3A_486 = tpu.memref_slice %arg6[%dma_start3A_483, %dma_start3A_484, %dma_start3A_485] : memref<8x416x32xf32, #tpu.memory_space<vmem>> -> memref<1x416x32xf32, #tpu.memory_space<vmem>>
        %dma_start3A_487 = tpu.memref_squeeze %dma_start3A_486 : memref<1x416x32xf32, #tpu.memory_space<vmem>> -> memref<416x32xf32, #tpu.memory_space<vmem>>
        %dma_start3A_488 = arith.constant 0 : i32
        %dma_start3A_489 = tpu.memref_slice %arg5[%add3A_482, %dma_start3A_488] : memref<32x416xi32, #tpu.memory_space<vmem>> -> memref<1x416xi32, #tpu.memory_space<vmem>>
        %dma_start3A_490 = tpu.memref_squeeze %dma_start3A_489 : memref<1x416xi32, #tpu.memory_space<vmem>> -> memref<416xi32, #tpu.memory_space<vmem>>
        %dma_start3A_491 = arith.constant 0 : i32
        %dma_start3A_492 = arith.constant 0 : i32
        %dma_start3A_493 = tpu.memref_slice %arg3[%dma_start3A_491, %dma_start3A_492] : memref<1000000x32xf32, #tpu.memory_space<hbm>> -> memref<1000000x32xf32, #tpu.memory_space<hbm>>
        tpu.enqueue_indirect_dma source(%dma_start3A_493 : memref<1000000x32xf32, #tpu.memory_space<hbm>>) target(%dma_start3A_487 : memref<416x32xf32, #tpu.memory_space<vmem>>) offsets(%dma_start3A_490 : memref<416xi32, #tpu.memory_space<vmem>>) semaphore(%arg13 : memref<!tpu.dma_semaphore, #tpu.memory_space<semaphore_mem>>)
      } else {
      }
      %mul3A_256 = arith.constant 8 : i32
      %mul3A_257 = arith.muli %add3A_125, %mul3A_256 : i32
      %add3A_258 = arith.constant 3 : i32
      %add3A_259 = arith.addi %mul3A_257, %add3A_258 : i32
      %dma_wait3A_260 = arith.constant 3 : i32
      %dma_wait3A_261 = arith.constant 0 : i32
      %dma_wait3A_262 = arith.constant 0 : i32
      %dma_wait3A_263 = tpu.memref_slice %arg6[%dma_wait3A_260, %dma_wait3A_261, %dma_wait3A_262] : memref<8x416x32xf32, #tpu.memory_space<vmem>> -> memref<1x416x32xf32, #tpu.memory_space<vmem>>
      %dma_wait3A_264 = tpu.memref_squeeze %dma_wait3A_263 : memref<1x416x32xf32, #tpu.memory_space<vmem>> -> memref<416x32xf32, #tpu.memory_space<vmem>>
      %dma_wait3A_265 = arith.constant 0 : i32
      %dma_wait3A_266 = tpu.memref_slice %arg5[%add3A_259, %dma_wait3A_265] : memref<32x416xi32, #tpu.memory_space<vmem>> -> memref<1x416xi32, #tpu.memory_space<vmem>>
      %dma_wait3A_267 = tpu.memref_squeeze %dma_wait3A_266 : memref<1x416xi32, #tpu.memory_space<vmem>> -> memref<416xi32, #tpu.memory_space<vmem>>
      %dma_wait3A_268 = arith.constant 0 : i32
      %dma_wait3A_269 = arith.constant 0 : i32
      %dma_wait3A_270 = tpu.memref_slice %arg3[%dma_wait3A_268, %dma_wait3A_269] : memref<1000000x32xf32, #tpu.memory_space<hbm>> -> memref<1000000x32xf32, #tpu.memory_space<hbm>>
      tpu.wait_indirect_dma semaphore(%arg10 : memref<!tpu.dma_semaphore, #tpu.memory_space<semaphore_mem>>) src(%dma_wait3A_270 : memref<1000000x32xf32, #tpu.memory_space<hbm>>) dst(%dma_wait3A_264 : memref<416x32xf32, #tpu.memory_space<vmem>>)
      %add3A_271 = arith.addi %mul3A_2, %add3A_259 : i32
      %mul3A_272 = arith.constant 416 : i32
      %mul3A_273 = arith.muli %add3A_271, %mul3A_272 : i32
      %dma_start3A_274 = arith.constant 3 : i32
      %dma_start3A_275 = arith.constant 0 : i32
      %dma_start3A_276 = arith.constant 0 : i32
      %dma_start3A_277 = tpu.memref_slice %arg6[%dma_start3A_274, %dma_start3A_275, %dma_start3A_276] : memref<8x416x32xf32, #tpu.memory_space<vmem>> -> memref<1x416x32xf32, #tpu.memory_space<vmem>>
      %dma_start3A_278 = tpu.memref_squeeze %dma_start3A_277 : memref<1x416x32xf32, #tpu.memory_space<vmem>> -> memref<416x32xf32, #tpu.memory_space<vmem>>
      %dma_start3A_279 = arith.constant 0 : i32
      %dma_start3A_280 = tpu.memref_slice %arg4[%mul3A_273, %dma_start3A_279] : memref<425984x32xf32, #tpu.memory_space<hbm>> -> memref<416x32xf32, #tpu.memory_space<hbm>>
      %dma_start3A_281 = arith.constant 0 : i32
      %dma_start3A_282 = tpu.memref_slice %arg4[%mul3A_273, %dma_start3A_281] : memref<425984x32xf32, #tpu.memory_space<hbm>> -> memref<416x32xf32, #tpu.memory_space<hbm>>
      %dma_start3A_283 = arith.constant 0 : i32
      %dma_start3A_284 = arith.constant 0 : i32
      %dma_start3A_285 = tpu.memref_slice %arg6[%dma_start3A_274, %dma_start3A_283, %dma_start3A_284] : memref<8x416x32xf32, #tpu.memory_space<vmem>> -> memref<1x416x32xf32, #tpu.memory_space<vmem>>
      %dma_start3A_286 = tpu.memref_squeeze %dma_start3A_285 : memref<1x416x32xf32, #tpu.memory_space<vmem>> -> memref<416x32xf32, #tpu.memory_space<vmem>>
      tpu.enqueue_dma source(%dma_start3A_286 : memref<416x32xf32, #tpu.memory_space<vmem>>) target(%dma_start3A_282 : memref<416x32xf32, #tpu.memory_space<hbm>>) target_semaphore(%arg18 : memref<!tpu.dma_semaphore, #tpu.memory_space<semaphore_mem>>)
      %sub3A_287 = arith.constant 4 : i32
      %sub3A_288 = arith.subi %add3A_259, %sub3A_287 : i32
      %ge3A_289 = arith.constant 0 : i32
      %ge3A_290 = arith.cmpi sge, %sub3A_288, %ge3A_289 : i32
      %convert_element_type3A_291 = arith.extui %ge3A_290 : i1 to i32
      %cond3A_292 = arith.constant 0 : i32
      %cond3A_293 = arith.cmpi ne, %convert_element_type3A_291, %cond3A_292 : i32
      scf.if %cond3A_293 {
        %sub3A_481 = arith.constant 4 : i32
        %sub3A_482 = arith.subi %add3A_259, %sub3A_481 : i32
        %add3A_483 = arith.addi %mul3A_2, %sub3A_482 : i32
        %mul3A_484 = arith.constant 416 : i32
        %mul3A_485 = arith.muli %add3A_483, %mul3A_484 : i32
        %dma_wait3A_486 = arith.constant 7 : i32
        %dma_wait3A_487 = arith.constant 0 : i32
        %dma_wait3A_488 = arith.constant 0 : i32
        %dma_wait3A_489 = tpu.memref_slice %arg6[%dma_wait3A_486, %dma_wait3A_487, %dma_wait3A_488] : memref<8x416x32xf32, #tpu.memory_space<vmem>> -> memref<1x416x32xf32, #tpu.memory_space<vmem>>
        %dma_wait3A_490 = tpu.memref_squeeze %dma_wait3A_489 : memref<1x416x32xf32, #tpu.memory_space<vmem>> -> memref<416x32xf32, #tpu.memory_space<vmem>>
        %dma_wait3A_491 = arith.constant 0 : i32
        %dma_wait3A_492 = tpu.memref_slice %arg4[%mul3A_485, %dma_wait3A_491] : memref<425984x32xf32, #tpu.memory_space<hbm>> -> memref<416x32xf32, #tpu.memory_space<hbm>>
        %dma_wait3A_493 = arith.constant 0 : i32
        %dma_wait3A_494 = tpu.memref_slice %arg4[%mul3A_485, %dma_wait3A_493] : memref<425984x32xf32, #tpu.memory_space<hbm>> -> memref<416x32xf32, #tpu.memory_space<hbm>>
        %dma_wait3A_495 = arith.constant 0 : i32
        %dma_wait3A_496 = arith.constant 0 : i32
        %dma_wait3A_497 = tpu.memref_slice %arg6[%dma_wait3A_486, %dma_wait3A_495, %dma_wait3A_496] : memref<8x416x32xf32, #tpu.memory_space<vmem>> -> memref<1x416x32xf32, #tpu.memory_space<vmem>>
        %dma_wait3A_498 = tpu.memref_squeeze %dma_wait3A_497 : memref<1x416x32xf32, #tpu.memory_space<vmem>> -> memref<416x32xf32, #tpu.memory_space<vmem>>
        tpu.wait_dma2 semaphore(%arg22 : memref<!tpu.dma_semaphore, #tpu.memory_space<semaphore_mem>>) src(%dma_wait3A_498 : memref<416x32xf32, #tpu.memory_space<vmem>>) dst(%dma_wait3A_494 : memref<416x32xf32, #tpu.memory_space<hbm>>)
      } else {
      }
      %add3A_294 = arith.constant 4 : i32
      %add3A_295 = arith.addi %add3A_259, %add3A_294 : i32
      %le3A_296 = arith.constant 31 : i32
      %le3A_297 = arith.cmpi sle, %add3A_295, %le3A_296 : i32
      %convert_element_type3A_298 = arith.extui %le3A_297 : i1 to i32
      %cond3A_299 = arith.constant 0 : i32
      %cond3A_300 = arith.cmpi ne, %convert_element_type3A_298, %cond3A_299 : i32
      scf.if %cond3A_300 {
        %add3A_481 = arith.constant 4 : i32
        %add3A_482 = arith.addi %add3A_259, %add3A_481 : i32
        %dma_start3A_483 = arith.constant 7 : i32
        %dma_start3A_484 = arith.constant 0 : i32
        %dma_start3A_485 = arith.constant 0 : i32
        %dma_start3A_486 = tpu.memref_slice %arg6[%dma_start3A_483, %dma_start3A_484, %dma_start3A_485] : memref<8x416x32xf32, #tpu.memory_space<vmem>> -> memref<1x416x32xf32, #tpu.memory_space<vmem>>
        %dma_start3A_487 = tpu.memref_squeeze %dma_start3A_486 : memref<1x416x32xf32, #tpu.memory_space<vmem>> -> memref<416x32xf32, #tpu.memory_space<vmem>>
        %dma_start3A_488 = arith.constant 0 : i32
        %dma_start3A_489 = tpu.memref_slice %arg5[%add3A_482, %dma_start3A_488] : memref<32x416xi32, #tpu.memory_space<vmem>> -> memref<1x416xi32, #tpu.memory_space<vmem>>
        %dma_start3A_490 = tpu.memref_squeeze %dma_start3A_489 : memref<1x416xi32, #tpu.memory_space<vmem>> -> memref<416xi32, #tpu.memory_space<vmem>>
        %dma_start3A_491 = arith.constant 0 : i32
        %dma_start3A_492 = arith.constant 0 : i32
        %dma_start3A_493 = tpu.memref_slice %arg3[%dma_start3A_491, %dma_start3A_492] : memref<1000000x32xf32, #tpu.memory_space<hbm>> -> memref<1000000x32xf32, #tpu.memory_space<hbm>>
        tpu.enqueue_indirect_dma source(%dma_start3A_493 : memref<1000000x32xf32, #tpu.memory_space<hbm>>) target(%dma_start3A_487 : memref<416x32xf32, #tpu.memory_space<vmem>>) offsets(%dma_start3A_490 : memref<416xi32, #tpu.memory_space<vmem>>) semaphore(%arg14 : memref<!tpu.dma_semaphore, #tpu.memory_space<semaphore_mem>>)
      } else {
      }
      %mul3A_301 = arith.constant 8 : i32
      %mul3A_302 = arith.muli %add3A_125, %mul3A_301 : i32
      %add3A_303 = arith.constant 4 : i32
      %add3A_304 = arith.addi %mul3A_302, %add3A_303 : i32
      %dma_wait3A_305 = arith.constant 4 : i32
      %dma_wait3A_306 = arith.constant 0 : i32
      %dma_wait3A_307 = arith.constant 0 : i32
      %dma_wait3A_308 = tpu.memref_slice %arg6[%dma_wait3A_305, %dma_wait3A_306, %dma_wait3A_307] : memref<8x416x32xf32, #tpu.memory_space<vmem>> -> memref<1x416x32xf32, #tpu.memory_space<vmem>>
      %dma_wait3A_309 = tpu.memref_squeeze %dma_wait3A_308 : memref<1x416x32xf32, #tpu.memory_space<vmem>> -> memref<416x32xf32, #tpu.memory_space<vmem>>
      %dma_wait3A_310 = arith.constant 0 : i32
      %dma_wait3A_311 = tpu.memref_slice %arg5[%add3A_304, %dma_wait3A_310] : memref<32x416xi32, #tpu.memory_space<vmem>> -> memref<1x416xi32, #tpu.memory_space<vmem>>
      %dma_wait3A_312 = tpu.memref_squeeze %dma_wait3A_311 : memref<1x416xi32, #tpu.memory_space<vmem>> -> memref<416xi32, #tpu.memory_space<vmem>>
      %dma_wait3A_313 = arith.constant 0 : i32
      %dma_wait3A_314 = arith.constant 0 : i32
      %dma_wait3A_315 = tpu.memref_slice %arg3[%dma_wait3A_313, %dma_wait3A_314] : memref<1000000x32xf32, #tpu.memory_space<hbm>> -> memref<1000000x32xf32, #tpu.memory_space<hbm>>
      tpu.wait_indirect_dma semaphore(%arg11 : memref<!tpu.dma_semaphore, #tpu.memory_space<semaphore_mem>>) src(%dma_wait3A_315 : memref<1000000x32xf32, #tpu.memory_space<hbm>>) dst(%dma_wait3A_309 : memref<416x32xf32, #tpu.memory_space<vmem>>)
      %add3A_316 = arith.addi %mul3A_2, %add3A_304 : i32
      %mul3A_317 = arith.constant 416 : i32
      %mul3A_318 = arith.muli %add3A_316, %mul3A_317 : i32
      %dma_start3A_319 = arith.constant 4 : i32
      %dma_start3A_320 = arith.constant 0 : i32
      %dma_start3A_321 = arith.constant 0 : i32
      %dma_start3A_322 = tpu.memref_slice %arg6[%dma_start3A_319, %dma_start3A_320, %dma_start3A_321] : memref<8x416x32xf32, #tpu.memory_space<vmem>> -> memref<1x416x32xf32, #tpu.memory_space<vmem>>
      %dma_start3A_323 = tpu.memref_squeeze %dma_start3A_322 : memref<1x416x32xf32, #tpu.memory_space<vmem>> -> memref<416x32xf32, #tpu.memory_space<vmem>>
      %dma_start3A_324 = arith.constant 0 : i32
      %dma_start3A_325 = tpu.memref_slice %arg4[%mul3A_318, %dma_start3A_324] : memref<425984x32xf32, #tpu.memory_space<hbm>> -> memref<416x32xf32, #tpu.memory_space<hbm>>
      %dma_start3A_326 = arith.constant 0 : i32
      %dma_start3A_327 = tpu.memref_slice %arg4[%mul3A_318, %dma_start3A_326] : memref<425984x32xf32, #tpu.memory_space<hbm>> -> memref<416x32xf32, #tpu.memory_space<hbm>>
      %dma_start3A_328 = arith.constant 0 : i32
      %dma_start3A_329 = arith.constant 0 : i32
      %dma_start3A_330 = tpu.memref_slice %arg6[%dma_start3A_319, %dma_start3A_328, %dma_start3A_329] : memref<8x416x32xf32, #tpu.memory_space<vmem>> -> memref<1x416x32xf32, #tpu.memory_space<vmem>>
      %dma_start3A_331 = tpu.memref_squeeze %dma_start3A_330 : memref<1x416x32xf32, #tpu.memory_space<vmem>> -> memref<416x32xf32, #tpu.memory_space<vmem>>
      tpu.enqueue_dma source(%dma_start3A_331 : memref<416x32xf32, #tpu.memory_space<vmem>>) target(%dma_start3A_327 : memref<416x32xf32, #tpu.memory_space<hbm>>) target_semaphore(%arg19 : memref<!tpu.dma_semaphore, #tpu.memory_space<semaphore_mem>>)
      %sub3A_332 = arith.constant 4 : i32
      %sub3A_333 = arith.subi %add3A_304, %sub3A_332 : i32
      %ge3A_334 = arith.constant 0 : i32
      %ge3A_335 = arith.cmpi sge, %sub3A_333, %ge3A_334 : i32
      %convert_element_type3A_336 = arith.extui %ge3A_335 : i1 to i32
      %cond3A_337 = arith.constant 0 : i32
      %cond3A_338 = arith.cmpi ne, %convert_element_type3A_336, %cond3A_337 : i32
      scf.if %cond3A_338 {
        %sub3A_481 = arith.constant 4 : i32
        %sub3A_482 = arith.subi %add3A_304, %sub3A_481 : i32
        %add3A_483 = arith.addi %mul3A_2, %sub3A_482 : i32
        %mul3A_484 = arith.constant 416 : i32
        %mul3A_485 = arith.muli %add3A_483, %mul3A_484 : i32
        %dma_wait3A_486 = arith.constant 0 : i32
        %dma_wait3A_487 = arith.constant 0 : i32
        %dma_wait3A_488 = arith.constant 0 : i32
        %dma_wait3A_489 = tpu.memref_slice %arg6[%dma_wait3A_486, %dma_wait3A_487, %dma_wait3A_488] : memref<8x416x32xf32, #tpu.memory_space<vmem>> -> memref<1x416x32xf32, #tpu.memory_space<vmem>>
        %dma_wait3A_490 = tpu.memref_squeeze %dma_wait3A_489 : memref<1x416x32xf32, #tpu.memory_space<vmem>> -> memref<416x32xf32, #tpu.memory_space<vmem>>
        %dma_wait3A_491 = arith.constant 0 : i32
        %dma_wait3A_492 = tpu.memref_slice %arg4[%mul3A_485, %dma_wait3A_491] : memref<425984x32xf32, #tpu.memory_space<hbm>> -> memref<416x32xf32, #tpu.memory_space<hbm>>
        %dma_wait3A_493 = arith.constant 0 : i32
        %dma_wait3A_494 = tpu.memref_slice %arg4[%mul3A_485, %dma_wait3A_493] : memref<425984x32xf32, #tpu.memory_space<hbm>> -> memref<416x32xf32, #tpu.memory_space<hbm>>
        %dma_wait3A_495 = arith.constant 0 : i32
        %dma_wait3A_496 = arith.constant 0 : i32
        %dma_wait3A_497 = tpu.memref_slice %arg6[%dma_wait3A_486, %dma_wait3A_495, %dma_wait3A_496] : memref<8x416x32xf32, #tpu.memory_space<vmem>> -> memref<1x416x32xf32, #tpu.memory_space<vmem>>
        %dma_wait3A_498 = tpu.memref_squeeze %dma_wait3A_497 : memref<1x416x32xf32, #tpu.memory_space<vmem>> -> memref<416x32xf32, #tpu.memory_space<vmem>>
        tpu.wait_dma2 semaphore(%arg15 : memref<!tpu.dma_semaphore, #tpu.memory_space<semaphore_mem>>) src(%dma_wait3A_498 : memref<416x32xf32, #tpu.memory_space<vmem>>) dst(%dma_wait3A_494 : memref<416x32xf32, #tpu.memory_space<hbm>>)
      } else {
      }
      %add3A_339 = arith.constant 4 : i32
      %add3A_340 = arith.addi %add3A_304, %add3A_339 : i32
      %le3A_341 = arith.constant 31 : i32
      %le3A_342 = arith.cmpi sle, %add3A_340, %le3A_341 : i32
      %convert_element_type3A_343 = arith.extui %le3A_342 : i1 to i32
      %cond3A_344 = arith.constant 0 : i32
      %cond3A_345 = arith.cmpi ne, %convert_element_type3A_343, %cond3A_344 : i32
      scf.if %cond3A_345 {
        %add3A_481 = arith.constant 4 : i32
        %add3A_482 = arith.addi %add3A_304, %add3A_481 : i32
        %dma_start3A_483 = arith.constant 0 : i32
        %dma_start3A_484 = arith.constant 0 : i32
        %dma_start3A_485 = arith.constant 0 : i32
        %dma_start3A_486 = tpu.memref_slice %arg6[%dma_start3A_483, %dma_start3A_484, %dma_start3A_485] : memref<8x416x32xf32, #tpu.memory_space<vmem>> -> memref<1x416x32xf32, #tpu.memory_space<vmem>>
        %dma_start3A_487 = tpu.memref_squeeze %dma_start3A_486 : memref<1x416x32xf32, #tpu.memory_space<vmem>> -> memref<416x32xf32, #tpu.memory_space<vmem>>
        %dma_start3A_488 = arith.constant 0 : i32
        %dma_start3A_489 = tpu.memref_slice %arg5[%add3A_482, %dma_start3A_488] : memref<32x416xi32, #tpu.memory_space<vmem>> -> memref<1x416xi32, #tpu.memory_space<vmem>>
        %dma_start3A_490 = tpu.memref_squeeze %dma_start3A_489 : memref<1x416xi32, #tpu.memory_space<vmem>> -> memref<416xi32, #tpu.memory_space<vmem>>
        %dma_start3A_491 = arith.constant 0 : i32
        %dma_start3A_492 = arith.constant 0 : i32
        %dma_start3A_493 = tpu.memref_slice %arg3[%dma_start3A_491, %dma_start3A_492] : memref<1000000x32xf32, #tpu.memory_space<hbm>> -> memref<1000000x32xf32, #tpu.memory_space<hbm>>
        tpu.enqueue_indirect_dma source(%dma_start3A_493 : memref<1000000x32xf32, #tpu.memory_space<hbm>>) target(%dma_start3A_487 : memref<416x32xf32, #tpu.memory_space<vmem>>) offsets(%dma_start3A_490 : memref<416xi32, #tpu.memory_space<vmem>>) semaphore(%arg7 : memref<!tpu.dma_semaphore, #tpu.memory_space<semaphore_mem>>)
      } else {
      }
      %mul3A_346 = arith.constant 8 : i32
      %mul3A_347 = arith.muli %add3A_125, %mul3A_346 : i32
      %add3A_348 = arith.constant 5 : i32
      %add3A_349 = arith.addi %mul3A_347, %add3A_348 : i32
      %dma_wait3A_350 = arith.constant 5 : i32
      %dma_wait3A_351 = arith.constant 0 : i32
      %dma_wait3A_352 = arith.constant 0 : i32
      %dma_wait3A_353 = tpu.memref_slice %arg6[%dma_wait3A_350, %dma_wait3A_351, %dma_wait3A_352] : memref<8x416x32xf32, #tpu.memory_space<vmem>> -> memref<1x416x32xf32, #tpu.memory_space<vmem>>
      %dma_wait3A_354 = tpu.memref_squeeze %dma_wait3A_353 : memref<1x416x32xf32, #tpu.memory_space<vmem>> -> memref<416x32xf32, #tpu.memory_space<vmem>>
      %dma_wait3A_355 = arith.constant 0 : i32
      %dma_wait3A_356 = tpu.memref_slice %arg5[%add3A_349, %dma_wait3A_355] : memref<32x416xi32, #tpu.memory_space<vmem>> -> memref<1x416xi32, #tpu.memory_space<vmem>>
      %dma_wait3A_357 = tpu.memref_squeeze %dma_wait3A_356 : memref<1x416xi32, #tpu.memory_space<vmem>> -> memref<416xi32, #tpu.memory_space<vmem>>
      %dma_wait3A_358 = arith.constant 0 : i32
      %dma_wait3A_359 = arith.constant 0 : i32
      %dma_wait3A_360 = tpu.memref_slice %arg3[%dma_wait3A_358, %dma_wait3A_359] : memref<1000000x32xf32, #tpu.memory_space<hbm>> -> memref<1000000x32xf32, #tpu.memory_space<hbm>>
      tpu.wait_indirect_dma semaphore(%arg12 : memref<!tpu.dma_semaphore, #tpu.memory_space<semaphore_mem>>) src(%dma_wait3A_360 : memref<1000000x32xf32, #tpu.memory_space<hbm>>) dst(%dma_wait3A_354 : memref<416x32xf32, #tpu.memory_space<vmem>>)
      %add3A_361 = arith.addi %mul3A_2, %add3A_349 : i32
      %mul3A_362 = arith.constant 416 : i32
      %mul3A_363 = arith.muli %add3A_361, %mul3A_362 : i32
      %dma_start3A_364 = arith.constant 5 : i32
      %dma_start3A_365 = arith.constant 0 : i32
      %dma_start3A_366 = arith.constant 0 : i32
      %dma_start3A_367 = tpu.memref_slice %arg6[%dma_start3A_364, %dma_start3A_365, %dma_start3A_366] : memref<8x416x32xf32, #tpu.memory_space<vmem>> -> memref<1x416x32xf32, #tpu.memory_space<vmem>>
      %dma_start3A_368 = tpu.memref_squeeze %dma_start3A_367 : memref<1x416x32xf32, #tpu.memory_space<vmem>> -> memref<416x32xf32, #tpu.memory_space<vmem>>
      %dma_start3A_369 = arith.constant 0 : i32
      %dma_start3A_370 = tpu.memref_slice %arg4[%mul3A_363, %dma_start3A_369] : memref<425984x32xf32, #tpu.memory_space<hbm>> -> memref<416x32xf32, #tpu.memory_space<hbm>>
      %dma_start3A_371 = arith.constant 0 : i32
      %dma_start3A_372 = tpu.memref_slice %arg4[%mul3A_363, %dma_start3A_371] : memref<425984x32xf32, #tpu.memory_space<hbm>> -> memref<416x32xf32, #tpu.memory_space<hbm>>
      %dma_start3A_373 = arith.constant 0 : i32
      %dma_start3A_374 = arith.constant 0 : i32
      %dma_start3A_375 = tpu.memref_slice %arg6[%dma_start3A_364, %dma_start3A_373, %dma_start3A_374] : memref<8x416x32xf32, #tpu.memory_space<vmem>> -> memref<1x416x32xf32, #tpu.memory_space<vmem>>
      %dma_start3A_376 = tpu.memref_squeeze %dma_start3A_375 : memref<1x416x32xf32, #tpu.memory_space<vmem>> -> memref<416x32xf32, #tpu.memory_space<vmem>>
      tpu.enqueue_dma source(%dma_start3A_376 : memref<416x32xf32, #tpu.memory_space<vmem>>) target(%dma_start3A_372 : memref<416x32xf32, #tpu.memory_space<hbm>>) target_semaphore(%arg20 : memref<!tpu.dma_semaphore, #tpu.memory_space<semaphore_mem>>)
      %sub3A_377 = arith.constant 4 : i32
      %sub3A_378 = arith.subi %add3A_349, %sub3A_377 : i32
      %ge3A_379 = arith.constant 0 : i32
      %ge3A_380 = arith.cmpi sge, %sub3A_378, %ge3A_379 : i32
      %convert_element_type3A_381 = arith.extui %ge3A_380 : i1 to i32
      %cond3A_382 = arith.constant 0 : i32
      %cond3A_383 = arith.cmpi ne, %convert_element_type3A_381, %cond3A_382 : i32
      scf.if %cond3A_383 {
        %sub3A_481 = arith.constant 4 : i32
        %sub3A_482 = arith.subi %add3A_349, %sub3A_481 : i32
        %add3A_483 = arith.addi %mul3A_2, %sub3A_482 : i32
        %mul3A_484 = arith.constant 416 : i32
        %mul3A_485 = arith.muli %add3A_483, %mul3A_484 : i32
        %dma_wait3A_486 = arith.constant 1 : i32
        %dma_wait3A_487 = arith.constant 0 : i32
        %dma_wait3A_488 = arith.constant 0 : i32
        %dma_wait3A_489 = tpu.memref_slice %arg6[%dma_wait3A_486, %dma_wait3A_487, %dma_wait3A_488] : memref<8x416x32xf32, #tpu.memory_space<vmem>> -> memref<1x416x32xf32, #tpu.memory_space<vmem>>
        %dma_wait3A_490 = tpu.memref_squeeze %dma_wait3A_489 : memref<1x416x32xf32, #tpu.memory_space<vmem>> -> memref<416x32xf32, #tpu.memory_space<vmem>>
        %dma_wait3A_491 = arith.constant 0 : i32
        %dma_wait3A_492 = tpu.memref_slice %arg4[%mul3A_485, %dma_wait3A_491] : memref<425984x32xf32, #tpu.memory_space<hbm>> -> memref<416x32xf32, #tpu.memory_space<hbm>>
        %dma_wait3A_493 = arith.constant 0 : i32
        %dma_wait3A_494 = tpu.memref_slice %arg4[%mul3A_485, %dma_wait3A_493] : memref<425984x32xf32, #tpu.memory_space<hbm>> -> memref<416x32xf32, #tpu.memory_space<hbm>>
        %dma_wait3A_495 = arith.constant 0 : i32
        %dma_wait3A_496 = arith.constant 0 : i32
        %dma_wait3A_497 = tpu.memref_slice %arg6[%dma_wait3A_486, %dma_wait3A_495, %dma_wait3A_496] : memref<8x416x32xf32, #tpu.memory_space<vmem>> -> memref<1x416x32xf32, #tpu.memory_space<vmem>>
        %dma_wait3A_498 = tpu.memref_squeeze %dma_wait3A_497 : memref<1x416x32xf32, #tpu.memory_space<vmem>> -> memref<416x32xf32, #tpu.memory_space<vmem>>
        tpu.wait_dma2 semaphore(%arg16 : memref<!tpu.dma_semaphore, #tpu.memory_space<semaphore_mem>>) src(%dma_wait3A_498 : memref<416x32xf32, #tpu.memory_space<vmem>>) dst(%dma_wait3A_494 : memref<416x32xf32, #tpu.memory_space<hbm>>)
      } else {
      }
      %add3A_384 = arith.constant 4 : i32
      %add3A_385 = arith.addi %add3A_349, %add3A_384 : i32
      %le3A_386 = arith.constant 31 : i32
      %le3A_387 = arith.cmpi sle, %add3A_385, %le3A_386 : i32
      %convert_element_type3A_388 = arith.extui %le3A_387 : i1 to i32
      %cond3A_389 = arith.constant 0 : i32
      %cond3A_390 = arith.cmpi ne, %convert_element_type3A_388, %cond3A_389 : i32
      scf.if %cond3A_390 {
        %add3A_481 = arith.constant 4 : i32
        %add3A_482 = arith.addi %add3A_349, %add3A_481 : i32
        %dma_start3A_483 = arith.constant 1 : i32
        %dma_start3A_484 = arith.constant 0 : i32
        %dma_start3A_485 = arith.constant 0 : i32
        %dma_start3A_486 = tpu.memref_slice %arg6[%dma_start3A_483, %dma_start3A_484, %dma_start3A_485] : memref<8x416x32xf32, #tpu.memory_space<vmem>> -> memref<1x416x32xf32, #tpu.memory_space<vmem>>
        %dma_start3A_487 = tpu.memref_squeeze %dma_start3A_486 : memref<1x416x32xf32, #tpu.memory_space<vmem>> -> memref<416x32xf32, #tpu.memory_space<vmem>>
        %dma_start3A_488 = arith.constant 0 : i32
        %dma_start3A_489 = tpu.memref_slice %arg5[%add3A_482, %dma_start3A_488] : memref<32x416xi32, #tpu.memory_space<vmem>> -> memref<1x416xi32, #tpu.memory_space<vmem>>
        %dma_start3A_490 = tpu.memref_squeeze %dma_start3A_489 : memref<1x416xi32, #tpu.memory_space<vmem>> -> memref<416xi32, #tpu.memory_space<vmem>>
        %dma_start3A_491 = arith.constant 0 : i32
        %dma_start3A_492 = arith.constant 0 : i32
        %dma_start3A_493 = tpu.memref_slice %arg3[%dma_start3A_491, %dma_start3A_492] : memref<1000000x32xf32, #tpu.memory_space<hbm>> -> memref<1000000x32xf32, #tpu.memory_space<hbm>>
        tpu.enqueue_indirect_dma source(%dma_start3A_493 : memref<1000000x32xf32, #tpu.memory_space<hbm>>) target(%dma_start3A_487 : memref<416x32xf32, #tpu.memory_space<vmem>>) offsets(%dma_start3A_490 : memref<416xi32, #tpu.memory_space<vmem>>) semaphore(%arg8 : memref<!tpu.dma_semaphore, #tpu.memory_space<semaphore_mem>>)
      } else {
      }
      %mul3A_391 = arith.constant 8 : i32
      %mul3A_392 = arith.muli %add3A_125, %mul3A_391 : i32
      %add3A_393 = arith.constant 6 : i32
      %add3A_394 = arith.addi %mul3A_392, %add3A_393 : i32
      %dma_wait3A_395 = arith.constant 6 : i32
      %dma_wait3A_396 = arith.constant 0 : i32
      %dma_wait3A_397 = arith.constant 0 : i32
      %dma_wait3A_398 = tpu.memref_slice %arg6[%dma_wait3A_395, %dma_wait3A_396, %dma_wait3A_397] : memref<8x416x32xf32, #tpu.memory_space<vmem>> -> memref<1x416x32xf32, #tpu.memory_space<vmem>>
      %dma_wait3A_399 = tpu.memref_squeeze %dma_wait3A_398 : memref<1x416x32xf32, #tpu.memory_space<vmem>> -> memref<416x32xf32, #tpu.memory_space<vmem>>
      %dma_wait3A_400 = arith.constant 0 : i32
      %dma_wait3A_401 = tpu.memref_slice %arg5[%add3A_394, %dma_wait3A_400] : memref<32x416xi32, #tpu.memory_space<vmem>> -> memref<1x416xi32, #tpu.memory_space<vmem>>
      %dma_wait3A_402 = tpu.memref_squeeze %dma_wait3A_401 : memref<1x416xi32, #tpu.memory_space<vmem>> -> memref<416xi32, #tpu.memory_space<vmem>>
      %dma_wait3A_403 = arith.constant 0 : i32
      %dma_wait3A_404 = arith.constant 0 : i32
      %dma_wait3A_405 = tpu.memref_slice %arg3[%dma_wait3A_403, %dma_wait3A_404] : memref<1000000x32xf32, #tpu.memory_space<hbm>> -> memref<1000000x32xf32, #tpu.memory_space<hbm>>
      tpu.wait_indirect_dma semaphore(%arg13 : memref<!tpu.dma_semaphore, #tpu.memory_space<semaphore_mem>>) src(%dma_wait3A_405 : memref<1000000x32xf32, #tpu.memory_space<hbm>>) dst(%dma_wait3A_399 : memref<416x32xf32, #tpu.memory_space<vmem>>)
      %add3A_406 = arith.addi %mul3A_2, %add3A_394 : i32
      %mul3A_407 = arith.constant 416 : i32
      %mul3A_408 = arith.muli %add3A_406, %mul3A_407 : i32
      %dma_start3A_409 = arith.constant 6 : i32
      %dma_start3A_410 = arith.constant 0 : i32
      %dma_start3A_411 = arith.constant 0 : i32
      %dma_start3A_412 = tpu.memref_slice %arg6[%dma_start3A_409, %dma_start3A_410, %dma_start3A_411] : memref<8x416x32xf32, #tpu.memory_space<vmem>> -> memref<1x416x32xf32, #tpu.memory_space<vmem>>
      %dma_start3A_413 = tpu.memref_squeeze %dma_start3A_412 : memref<1x416x32xf32, #tpu.memory_space<vmem>> -> memref<416x32xf32, #tpu.memory_space<vmem>>
      %dma_start3A_414 = arith.constant 0 : i32
      %dma_start3A_415 = tpu.memref_slice %arg4[%mul3A_408, %dma_start3A_414] : memref<425984x32xf32, #tpu.memory_space<hbm>> -> memref<416x32xf32, #tpu.memory_space<hbm>>
      %dma_start3A_416 = arith.constant 0 : i32
      %dma_start3A_417 = tpu.memref_slice %arg4[%mul3A_408, %dma_start3A_416] : memref<425984x32xf32, #tpu.memory_space<hbm>> -> memref<416x32xf32, #tpu.memory_space<hbm>>
      %dma_start3A_418 = arith.constant 0 : i32
      %dma_start3A_419 = arith.constant 0 : i32
      %dma_start3A_420 = tpu.memref_slice %arg6[%dma_start3A_409, %dma_start3A_418, %dma_start3A_419] : memref<8x416x32xf32, #tpu.memory_space<vmem>> -> memref<1x416x32xf32, #tpu.memory_space<vmem>>
      %dma_start3A_421 = tpu.memref_squeeze %dma_start3A_420 : memref<1x416x32xf32, #tpu.memory_space<vmem>> -> memref<416x32xf32, #tpu.memory_space<vmem>>
      tpu.enqueue_dma source(%dma_start3A_421 : memref<416x32xf32, #tpu.memory_space<vmem>>) target(%dma_start3A_417 : memref<416x32xf32, #tpu.memory_space<hbm>>) target_semaphore(%arg21 : memref<!tpu.dma_semaphore, #tpu.memory_space<semaphore_mem>>)
      %sub3A_422 = arith.constant 4 : i32
      %sub3A_423 = arith.subi %add3A_394, %sub3A_422 : i32
      %ge3A_424 = arith.constant 0 : i32
      %ge3A_425 = arith.cmpi sge, %sub3A_423, %ge3A_424 : i32
      %convert_element_type3A_426 = arith.extui %ge3A_425 : i1 to i32
      %cond3A_427 = arith.constant 0 : i32
      %cond3A_428 = arith.cmpi ne, %convert_element_type3A_426, %cond3A_427 : i32
      scf.if %cond3A_428 {
        %sub3A_481 = arith.constant 4 : i32
        %sub3A_482 = arith.subi %add3A_394, %sub3A_481 : i32
        %add3A_483 = arith.addi %mul3A_2, %sub3A_482 : i32
        %mul3A_484 = arith.constant 416 : i32
        %mul3A_485 = arith.muli %add3A_483, %mul3A_484 : i32
        %dma_wait3A_486 = arith.constant 2 : i32
        %dma_wait3A_487 = arith.constant 0 : i32
        %dma_wait3A_488 = arith.constant 0 : i32
        %dma_wait3A_489 = tpu.memref_slice %arg6[%dma_wait3A_486, %dma_wait3A_487, %dma_wait3A_488] : memref<8x416x32xf32, #tpu.memory_space<vmem>> -> memref<1x416x32xf32, #tpu.memory_space<vmem>>
        %dma_wait3A_490 = tpu.memref_squeeze %dma_wait3A_489 : memref<1x416x32xf32, #tpu.memory_space<vmem>> -> memref<416x32xf32, #tpu.memory_space<vmem>>
        %dma_wait3A_491 = arith.constant 0 : i32
        %dma_wait3A_492 = tpu.memref_slice %arg4[%mul3A_485, %dma_wait3A_491] : memref<425984x32xf32, #tpu.memory_space<hbm>> -> memref<416x32xf32, #tpu.memory_space<hbm>>
        %dma_wait3A_493 = arith.constant 0 : i32
        %dma_wait3A_494 = tpu.memref_slice %arg4[%mul3A_485, %dma_wait3A_493] : memref<425984x32xf32, #tpu.memory_space<hbm>> -> memref<416x32xf32, #tpu.memory_space<hbm>>
        %dma_wait3A_495 = arith.constant 0 : i32
        %dma_wait3A_496 = arith.constant 0 : i32
        %dma_wait3A_497 = tpu.memref_slice %arg6[%dma_wait3A_486, %dma_wait3A_495, %dma_wait3A_496] : memref<8x416x32xf32, #tpu.memory_space<vmem>> -> memref<1x416x32xf32, #tpu.memory_space<vmem>>
        %dma_wait3A_498 = tpu.memref_squeeze %dma_wait3A_497 : memref<1x416x32xf32, #tpu.memory_space<vmem>> -> memref<416x32xf32, #tpu.memory_space<vmem>>
        tpu.wait_dma2 semaphore(%arg17 : memref<!tpu.dma_semaphore, #tpu.memory_space<semaphore_mem>>) src(%dma_wait3A_498 : memref<416x32xf32, #tpu.memory_space<vmem>>) dst(%dma_wait3A_494 : memref<416x32xf32, #tpu.memory_space<hbm>>)
      } else {
      }
      %add3A_429 = arith.constant 4 : i32
      %add3A_430 = arith.addi %add3A_394, %add3A_429 : i32
      %le3A_431 = arith.constant 31 : i32
      %le3A_432 = arith.cmpi sle, %add3A_430, %le3A_431 : i32
      %convert_element_type3A_433 = arith.extui %le3A_432 : i1 to i32
      %cond3A_434 = arith.constant 0 : i32
      %cond3A_435 = arith.cmpi ne, %convert_element_type3A_433, %cond3A_434 : i32
      scf.if %cond3A_435 {
        %add3A_481 = arith.constant 4 : i32
        %add3A_482 = arith.addi %add3A_394, %add3A_481 : i32
        %dma_start3A_483 = arith.constant 2 : i32
        %dma_start3A_484 = arith.constant 0 : i32
        %dma_start3A_485 = arith.constant 0 : i32
        %dma_start3A_486 = tpu.memref_slice %arg6[%dma_start3A_483, %dma_start3A_484, %dma_start3A_485] : memref<8x416x32xf32, #tpu.memory_space<vmem>> -> memref<1x416x32xf32, #tpu.memory_space<vmem>>
        %dma_start3A_487 = tpu.memref_squeeze %dma_start3A_486 : memref<1x416x32xf32, #tpu.memory_space<vmem>> -> memref<416x32xf32, #tpu.memory_space<vmem>>
        %dma_start3A_488 = arith.constant 0 : i32
        %dma_start3A_489 = tpu.memref_slice %arg5[%add3A_482, %dma_start3A_488] : memref<32x416xi32, #tpu.memory_space<vmem>> -> memref<1x416xi32, #tpu.memory_space<vmem>>
        %dma_start3A_490 = tpu.memref_squeeze %dma_start3A_489 : memref<1x416xi32, #tpu.memory_space<vmem>> -> memref<416xi32, #tpu.memory_space<vmem>>
        %dma_start3A_491 = arith.constant 0 : i32
        %dma_start3A_492 = arith.constant 0 : i32
        %dma_start3A_493 = tpu.memref_slice %arg3[%dma_start3A_491, %dma_start3A_492] : memref<1000000x32xf32, #tpu.memory_space<hbm>> -> memref<1000000x32xf32, #tpu.memory_space<hbm>>
        tpu.enqueue_indirect_dma source(%dma_start3A_493 : memref<1000000x32xf32, #tpu.memory_space<hbm>>) target(%dma_start3A_487 : memref<416x32xf32, #tpu.memory_space<vmem>>) offsets(%dma_start3A_490 : memref<416xi32, #tpu.memory_space<vmem>>) semaphore(%arg9 : memref<!tpu.dma_semaphore, #tpu.memory_space<semaphore_mem>>)
      } else {
      }
      %mul3A_436 = arith.constant 8 : i32
      %mul3A_437 = arith.muli %add3A_125, %mul3A_436 : i32
      %add3A_438 = arith.constant 7 : i32
      %add3A_439 = arith.addi %mul3A_437, %add3A_438 : i32
      %dma_wait3A_440 = arith.constant 7 : i32
      %dma_wait3A_441 = arith.constant 0 : i32
      %dma_wait3A_442 = arith.constant 0 : i32
      %dma_wait3A_443 = tpu.memref_slice %arg6[%dma_wait3A_440, %dma_wait3A_441, %dma_wait3A_442] : memref<8x416x32xf32, #tpu.memory_space<vmem>> -> memref<1x416x32xf32, #tpu.memory_space<vmem>>
      %dma_wait3A_444 = tpu.memref_squeeze %dma_wait3A_443 : memref<1x416x32xf32, #tpu.memory_space<vmem>> -> memref<416x32xf32, #tpu.memory_space<vmem>>
      %dma_wait3A_445 = arith.constant 0 : i32
      %dma_wait3A_446 = tpu.memref_slice %arg5[%add3A_439, %dma_wait3A_445] : memref<32x416xi32, #tpu.memory_space<vmem>> -> memref<1x416xi32, #tpu.memory_space<vmem>>
      %dma_wait3A_447 = tpu.memref_squeeze %dma_wait3A_446 : memref<1x416xi32, #tpu.memory_space<vmem>> -> memref<416xi32, #tpu.memory_space<vmem>>
      %dma_wait3A_448 = arith.constant 0 : i32
      %dma_wait3A_449 = arith.constant 0 : i32
      %dma_wait3A_450 = tpu.memref_slice %arg3[%dma_wait3A_448, %dma_wait3A_449] : memref<1000000x32xf32, #tpu.memory_space<hbm>> -> memref<1000000x32xf32, #tpu.memory_space<hbm>>
      tpu.wait_indirect_dma semaphore(%arg14 : memref<!tpu.dma_semaphore, #tpu.memory_space<semaphore_mem>>) src(%dma_wait3A_450 : memref<1000000x32xf32, #tpu.memory_space<hbm>>) dst(%dma_wait3A_444 : memref<416x32xf32, #tpu.memory_space<vmem>>)
      %add3A_451 = arith.addi %mul3A_2, %add3A_439 : i32
      %mul3A_452 = arith.constant 416 : i32
      %mul3A_453 = arith.muli %add3A_451, %mul3A_452 : i32
      %dma_start3A_454 = arith.constant 7 : i32
      %dma_start3A_455 = arith.constant 0 : i32
      %dma_start3A_456 = arith.constant 0 : i32
      %dma_start3A_457 = tpu.memref_slice %arg6[%dma_start3A_454, %dma_start3A_455, %dma_start3A_456] : memref<8x416x32xf32, #tpu.memory_space<vmem>> -> memref<1x416x32xf32, #tpu.memory_space<vmem>>
      %dma_start3A_458 = tpu.memref_squeeze %dma_start3A_457 : memref<1x416x32xf32, #tpu.memory_space<vmem>> -> memref<416x32xf32, #tpu.memory_space<vmem>>
      %dma_start3A_459 = arith.constant 0 : i32
      %dma_start3A_460 = tpu.memref_slice %arg4[%mul3A_453, %dma_start3A_459] : memref<425984x32xf32, #tpu.memory_space<hbm>> -> memref<416x32xf32, #tpu.memory_space<hbm>>
      %dma_start3A_461 = arith.constant 0 : i32
      %dma_start3A_462 = tpu.memref_slice %arg4[%mul3A_453, %dma_start3A_461] : memref<425984x32xf32, #tpu.memory_space<hbm>> -> memref<416x32xf32, #tpu.memory_space<hbm>>
      %dma_start3A_463 = arith.constant 0 : i32
      %dma_start3A_464 = arith.constant 0 : i32
      %dma_start3A_465 = tpu.memref_slice %arg6[%dma_start3A_454, %dma_start3A_463, %dma_start3A_464] : memref<8x416x32xf32, #tpu.memory_space<vmem>> -> memref<1x416x32xf32, #tpu.memory_space<vmem>>
      %dma_start3A_466 = tpu.memref_squeeze %dma_start3A_465 : memref<1x416x32xf32, #tpu.memory_space<vmem>> -> memref<416x32xf32, #tpu.memory_space<vmem>>
      tpu.enqueue_dma source(%dma_start3A_466 : memref<416x32xf32, #tpu.memory_space<vmem>>) target(%dma_start3A_462 : memref<416x32xf32, #tpu.memory_space<hbm>>) target_semaphore(%arg22 : memref<!tpu.dma_semaphore, #tpu.memory_space<semaphore_mem>>)
      %sub3A_467 = arith.constant 4 : i32
      %sub3A_468 = arith.subi %add3A_439, %sub3A_467 : i32
      %ge3A_469 = arith.constant 0 : i32
      %ge3A_470 = arith.cmpi sge, %sub3A_468, %ge3A_469 : i32
      %convert_element_type3A_471 = arith.extui %ge3A_470 : i1 to i32
      %cond3A_472 = arith.constant 0 : i32
      %cond3A_473 = arith.cmpi ne, %convert_element_type3A_471, %cond3A_472 : i32
      scf.if %cond3A_473 {
        %sub3A_481 = arith.constant 4 : i32
        %sub3A_482 = arith.subi %add3A_439, %sub3A_481 : i32
        %add3A_483 = arith.addi %mul3A_2, %sub3A_482 : i32
        %mul3A_484 = arith.constant 416 : i32
        %mul3A_485 = arith.muli %add3A_483, %mul3A_484 : i32
        %dma_wait3A_486 = arith.constant 3 : i32
        %dma_wait3A_487 = arith.constant 0 : i32
        %dma_wait3A_488 = arith.constant 0 : i32
        %dma_wait3A_489 = tpu.memref_slice %arg6[%dma_wait3A_486, %dma_wait3A_487, %dma_wait3A_488] : memref<8x416x32xf32, #tpu.memory_space<vmem>> -> memref<1x416x32xf32, #tpu.memory_space<vmem>>
        %dma_wait3A_490 = tpu.memref_squeeze %dma_wait3A_489 : memref<1x416x32xf32, #tpu.memory_space<vmem>> -> memref<416x32xf32, #tpu.memory_space<vmem>>
        %dma_wait3A_491 = arith.constant 0 : i32
        %dma_wait3A_492 = tpu.memref_slice %arg4[%mul3A_485, %dma_wait3A_491] : memref<425984x32xf32, #tpu.memory_space<hbm>> -> memref<416x32xf32, #tpu.memory_space<hbm>>
        %dma_wait3A_493 = arith.constant 0 : i32
        %dma_wait3A_494 = tpu.memref_slice %arg4[%mul3A_485, %dma_wait3A_493] : memref<425984x32xf32, #tpu.memory_space<hbm>> -> memref<416x32xf32, #tpu.memory_space<hbm>>
        %dma_wait3A_495 = arith.constant 0 : i32
        %dma_wait3A_496 = arith.constant 0 : i32
        %dma_wait3A_497 = tpu.memref_slice %arg6[%dma_wait3A_486, %dma_wait3A_495, %dma_wait3A_496] : memref<8x416x32xf32, #tpu.memory_space<vmem>> -> memref<1x416x32xf32, #tpu.memory_space<vmem>>
        %dma_wait3A_498 = tpu.memref_squeeze %dma_wait3A_497 : memref<1x416x32xf32, #tpu.memory_space<vmem>> -> memref<416x32xf32, #tpu.memory_space<vmem>>
        tpu.wait_dma2 semaphore(%arg18 : memref<!tpu.dma_semaphore, #tpu.memory_space<semaphore_mem>>) src(%dma_wait3A_498 : memref<416x32xf32, #tpu.memory_space<vmem>>) dst(%dma_wait3A_494 : memref<416x32xf32, #tpu.memory_space<hbm>>)
      } else {
      }
      %add3A_474 = arith.constant 4 : i32
      %add3A_475 = arith.addi %add3A_439, %add3A_474 : i32
      %le3A_476 = arith.constant 31 : i32
      %le3A_477 = arith.cmpi sle, %add3A_475, %le3A_476 : i32
      %convert_element_type3A_478 = arith.extui %le3A_477 : i1 to i32
      %cond3A_479 = arith.constant 0 : i32
      %cond3A_480 = arith.cmpi ne, %convert_element_type3A_478, %cond3A_479 : i32
      scf.if %cond3A_480 {
        %add3A_481 = arith.constant 4 : i32
        %add3A_482 = arith.addi %add3A_439, %add3A_481 : i32
        %dma_start3A_483 = arith.constant 3 : i32
        %dma_start3A_484 = arith.constant 0 : i32
        %dma_start3A_485 = arith.constant 0 : i32
        %dma_start3A_486 = tpu.memref_slice %arg6[%dma_start3A_483, %dma_start3A_484, %dma_start3A_485] : memref<8x416x32xf32, #tpu.memory_space<vmem>> -> memref<1x416x32xf32, #tpu.memory_space<vmem>>
        %dma_start3A_487 = tpu.memref_squeeze %dma_start3A_486 : memref<1x416x32xf32, #tpu.memory_space<vmem>> -> memref<416x32xf32, #tpu.memory_space<vmem>>
        %dma_start3A_488 = arith.constant 0 : i32
        %dma_start3A_489 = tpu.memref_slice %arg5[%add3A_482, %dma_start3A_488] : memref<32x416xi32, #tpu.memory_space<vmem>> -> memref<1x416xi32, #tpu.memory_space<vmem>>
        %dma_start3A_490 = tpu.memref_squeeze %dma_start3A_489 : memref<1x416xi32, #tpu.memory_space<vmem>> -> memref<416xi32, #tpu.memory_space<vmem>>
        %dma_start3A_491 = arith.constant 0 : i32
        %dma_start3A_492 = arith.constant 0 : i32
        %dma_start3A_493 = tpu.memref_slice %arg3[%dma_start3A_491, %dma_start3A_492] : memref<1000000x32xf32, #tpu.memory_space<hbm>> -> memref<1000000x32xf32, #tpu.memory_space<hbm>>
        tpu.enqueue_indirect_dma source(%dma_start3A_493 : memref<1000000x32xf32, #tpu.memory_space<hbm>>) target(%dma_start3A_487 : memref<416x32xf32, #tpu.memory_space<vmem>>) offsets(%dma_start3A_490 : memref<416xi32, #tpu.memory_space<vmem>>) semaphore(%arg10 : memref<!tpu.dma_semaphore, #tpu.memory_space<semaphore_mem>>)
      } else {
      }
    }
    %scan3A_53 = arith.constant 4 : i32
    %add3A_54 = arith.constant 28 : i32
    %add3A_55 = arith.addi %mul3A_2, %add3A_54 : i32
    %mul3A_56 = arith.constant 416 : i32
    %mul3A_57 = arith.muli %add3A_55, %mul3A_56 : i32
    %dma_wait3A = arith.constant 4 : i32
    %dma_wait3A_58 = arith.constant 0 : i32
    %dma_wait3A_59 = arith.constant 0 : i32
    %dma_wait3A_60 = tpu.memref_slice %arg6[%dma_wait3A, %dma_wait3A_58, %dma_wait3A_59] : memref<8x416x32xf32, #tpu.memory_space<vmem>> -> memref<1x416x32xf32, #tpu.memory_space<vmem>>
    %dma_wait3A_61 = tpu.memref_squeeze %dma_wait3A_60 : memref<1x416x32xf32, #tpu.memory_space<vmem>> -> memref<416x32xf32, #tpu.memory_space<vmem>>
    %dma_wait3A_62 = arith.constant 0 : i32
    %dma_wait3A_63 = tpu.memref_slice %arg4[%mul3A_57, %dma_wait3A_62] : memref<425984x32xf32, #tpu.memory_space<hbm>> -> memref<416x32xf32, #tpu.memory_space<hbm>>
    %dma_wait3A_64 = arith.constant 0 : i32
    %dma_wait3A_65 = tpu.memref_slice %arg4[%mul3A_57, %dma_wait3A_64] : memref<425984x32xf32, #tpu.memory_space<hbm>> -> memref<416x32xf32, #tpu.memory_space<hbm>>
    %dma_wait3A_66 = arith.constant 0 : i32
    %dma_wait3A_67 = arith.constant 0 : i32
    %dma_wait3A_68 = tpu.memref_slice %arg6[%dma_wait3A, %dma_wait3A_66, %dma_wait3A_67] : memref<8x416x32xf32, #tpu.memory_space<vmem>> -> memref<1x416x32xf32, #tpu.memory_space<vmem>>
    %dma_wait3A_69 = tpu.memref_squeeze %dma_wait3A_68 : memref<1x416x32xf32, #tpu.memory_space<vmem>> -> memref<416x32xf32, #tpu.memory_space<vmem>>
    tpu.wait_dma2 semaphore(%arg19 : memref<!tpu.dma_semaphore, #tpu.memory_space<semaphore_mem>>) src(%dma_wait3A_69 : memref<416x32xf32, #tpu.memory_space<vmem>>) dst(%dma_wait3A_65 : memref<416x32xf32, #tpu.memory_space<hbm>>)
    %add3A_70 = arith.constant 29 : i32
    %add3A_71 = arith.addi %mul3A_2, %add3A_70 : i32
    %mul3A_72 = arith.constant 416 : i32
    %mul3A_73 = arith.muli %add3A_71, %mul3A_72 : i32
    %dma_wait3A_74 = arith.constant 5 : i32
    %dma_wait3A_75 = arith.constant 0 : i32
    %dma_wait3A_76 = arith.constant 0 : i32
    %dma_wait3A_77 = tpu.memref_slice %arg6[%dma_wait3A_74, %dma_wait3A_75, %dma_wait3A_76] : memref<8x416x32xf32, #tpu.memory_space<vmem>> -> memref<1x416x32xf32, #tpu.memory_space<vmem>>
    %dma_wait3A_78 = tpu.memref_squeeze %dma_wait3A_77 : memref<1x416x32xf32, #tpu.memory_space<vmem>> -> memref<416x32xf32, #tpu.memory_space<vmem>>
    %dma_wait3A_79 = arith.constant 0 : i32
    %dma_wait3A_80 = tpu.memref_slice %arg4[%mul3A_73, %dma_wait3A_79] : memref<425984x32xf32, #tpu.memory_space<hbm>> -> memref<416x32xf32, #tpu.memory_space<hbm>>
    %dma_wait3A_81 = arith.constant 0 : i32
    %dma_wait3A_82 = tpu.memref_slice %arg4[%mul3A_73, %dma_wait3A_81] : memref<425984x32xf32, #tpu.memory_space<hbm>> -> memref<416x32xf32, #tpu.memory_space<hbm>>
    %dma_wait3A_83 = arith.constant 0 : i32
    %dma_wait3A_84 = arith.constant 0 : i32
    %dma_wait3A_85 = tpu.memref_slice %arg6[%dma_wait3A_74, %dma_wait3A_83, %dma_wait3A_84] : memref<8x416x32xf32, #tpu.memory_space<vmem>> -> memref<1x416x32xf32, #tpu.memory_space<vmem>>
    %dma_wait3A_86 = tpu.memref_squeeze %dma_wait3A_85 : memref<1x416x32xf32, #tpu.memory_space<vmem>> -> memref<416x32xf32, #tpu.memory_space<vmem>>
    tpu.wait_dma2 semaphore(%arg20 : memref<!tpu.dma_semaphore, #tpu.memory_space<semaphore_mem>>) src(%dma_wait3A_86 : memref<416x32xf32, #tpu.memory_space<vmem>>) dst(%dma_wait3A_82 : memref<416x32xf32, #tpu.memory_space<hbm>>)
    %add3A_87 = arith.constant 30 : i32
    %add3A_88 = arith.addi %mul3A_2, %add3A_87 : i32
    %mul3A_89 = arith.constant 416 : i32
    %mul3A_90 = arith.muli %add3A_88, %mul3A_89 : i32
    %dma_wait3A_91 = arith.constant 6 : i32
    %dma_wait3A_92 = arith.constant 0 : i32
    %dma_wait3A_93 = arith.constant 0 : i32
    %dma_wait3A_94 = tpu.memref_slice %arg6[%dma_wait3A_91, %dma_wait3A_92, %dma_wait3A_93] : memref<8x416x32xf32, #tpu.memory_space<vmem>> -> memref<1x416x32xf32, #tpu.memory_space<vmem>>
    %dma_wait3A_95 = tpu.memref_squeeze %dma_wait3A_94 : memref<1x416x32xf32, #tpu.memory_space<vmem>> -> memref<416x32xf32, #tpu.memory_space<vmem>>
    %dma_wait3A_96 = arith.constant 0 : i32
    %dma_wait3A_97 = tpu.memref_slice %arg4[%mul3A_90, %dma_wait3A_96] : memref<425984x32xf32, #tpu.memory_space<hbm>> -> memref<416x32xf32, #tpu.memory_space<hbm>>
    %dma_wait3A_98 = arith.constant 0 : i32
    %dma_wait3A_99 = tpu.memref_slice %arg4[%mul3A_90, %dma_wait3A_98] : memref<425984x32xf32, #tpu.memory_space<hbm>> -> memref<416x32xf32, #tpu.memory_space<hbm>>
    %dma_wait3A_100 = arith.constant 0 : i32
    %dma_wait3A_101 = arith.constant 0 : i32
    %dma_wait3A_102 = tpu.memref_slice %arg6[%dma_wait3A_91, %dma_wait3A_100, %dma_wait3A_101] : memref<8x416x32xf32, #tpu.memory_space<vmem>> -> memref<1x416x32xf32, #tpu.memory_space<vmem>>
    %dma_wait3A_103 = tpu.memref_squeeze %dma_wait3A_102 : memref<1x416x32xf32, #tpu.memory_space<vmem>> -> memref<416x32xf32, #tpu.memory_space<vmem>>
    tpu.wait_dma2 semaphore(%arg21 : memref<!tpu.dma_semaphore, #tpu.memory_space<semaphore_mem>>) src(%dma_wait3A_103 : memref<416x32xf32, #tpu.memory_space<vmem>>) dst(%dma_wait3A_99 : memref<416x32xf32, #tpu.memory_space<hbm>>)
    %add3A_104 = arith.constant 31 : i32
    %add3A_105 = arith.addi %mul3A_2, %add3A_104 : i32
    %mul3A_106 = arith.constant 416 : i32
    %mul3A_107 = arith.muli %add3A_105, %mul3A_106 : i32
    %dma_wait3A_108 = arith.constant 7 : i32
    %dma_wait3A_109 = arith.constant 0 : i32
    %dma_wait3A_110 = arith.constant 0 : i32
    %dma_wait3A_111 = tpu.memref_slice %arg6[%dma_wait3A_108, %dma_wait3A_109, %dma_wait3A_110] : memref<8x416x32xf32, #tpu.memory_space<vmem>> -> memref<1x416x32xf32, #tpu.memory_space<vmem>>
    %dma_wait3A_112 = tpu.memref_squeeze %dma_wait3A_111 : memref<1x416x32xf32, #tpu.memory_space<vmem>> -> memref<416x32xf32, #tpu.memory_space<vmem>>
    %dma_wait3A_113 = arith.constant 0 : i32
    %dma_wait3A_114 = tpu.memref_slice %arg4[%mul3A_107, %dma_wait3A_113] : memref<425984x32xf32, #tpu.memory_space<hbm>> -> memref<416x32xf32, #tpu.memory_space<hbm>>
    %dma_wait3A_115 = arith.constant 0 : i32
    %dma_wait3A_116 = tpu.memref_slice %arg4[%mul3A_107, %dma_wait3A_115] : memref<425984x32xf32, #tpu.memory_space<hbm>> -> memref<416x32xf32, #tpu.memory_space<hbm>>
    %dma_wait3A_117 = arith.constant 0 : i32
    %dma_wait3A_118 = arith.constant 0 : i32
    %dma_wait3A_119 = tpu.memref_slice %arg6[%dma_wait3A_108, %dma_wait3A_117, %dma_wait3A_118] : memref<8x416x32xf32, #tpu.memory_space<vmem>> -> memref<1x416x32xf32, #tpu.memory_space<vmem>>
    %dma_wait3A_120 = tpu.memref_squeeze %dma_wait3A_119 : memref<1x416x32xf32, #tpu.memory_space<vmem>> -> memref<416x32xf32, #tpu.memory_space<vmem>>
    tpu.wait_dma2 semaphore(%arg22 : memref<!tpu.dma_semaphore, #tpu.memory_space<semaphore_mem>>) src(%dma_wait3A_120 : memref<416x32xf32, #tpu.memory_space<vmem>>) dst(%dma_wait3A_116 : memref<416x32xf32, #tpu.memory_space<hbm>>)
    return
  }
}

</mosaic_0001>

<sc_bundles>
// kernel: kernel.3.cloned.1.call-start
scs
__scs_entry_jumppad:
0x0: {  	(pc) =	sbr.rel $0x88, $3  }
0x1: {  	(tag) =	ssettag $0x0;
	lr =	simm.s32 $0x1  }
0x2: {  	[smem:$0x3F9F] =	sst lr;
	_ =	strace $0xD0000000  }
0x3: {  	_ = 	snop  }
0x4: {  	_ = 	snop  }
0x5: {  	_ = 	snop  }
0x6: {  	_ = 	snop  }
0x7: {  	_ = 	snop  }
__scs_overlays_trampoline_lowered:
0x8: {  	[smem:$0x3FAE] =	sst s0  }
0x9: {  	[smem:$0x3FAF] =	sst s1  }
0xa: {  	[smem:$0x3FB0] =	sst s2  }
0xb: {  	[smem:$0x3FB1] =	sst s3  }
0xc: {  	[smem:$0x3FB2] =	sst s4  }
0xd: {  	[smem:$0x3FB3] =	sst s5  }
0xe: {  	[smem:$0x3FB4] =	sst s6  }
0xf: {  	[smem:$0x3FB5] =	sst s7  }
0x10: {  	[smem:$0x3FB6] =	sst s8  }
0x11: {  	[smem:$0x3FB7] =	sst s9;
	s0 =	simm.s32 @!p0 $0x0  }
0x12: {  	s1 =	sld [smem:$0x3F9D];
	s0 =	simm.s32 @p0 $0x1  }
0x13: {  	[smem:$0x3FB8] =	sst s0;
	s0 =	simm.s32 @!p1 $0x0  }
0x14: {  	s2 =	sld [smem:$0x3F9C];
	s0 =	simm.s32 @p1 $0x1  }
0x15: {  	[smem:$0x3FB9] =	sst s0;
	s0 =	simm.s32 @!p2 $0x0  }
0x16: {  	s3 =	sld [smem:$0x3FDB];
	s0 =	simm.s32 @p2 $0x1  }
0x17: {  	s4 =	simm.s32 $0x1BF5;
	[smem:$0x3FBB] =	sst s0  }
0x18: {  	s0 =	sld [smem:$0x3F9E];
	_ =	swait.ge [sflag:s4], $0x0  }
0x19: {  	s7 =	sld [smem:$0x3F9F]  }
0x1a: {  	s8 =	sadd.s32 $0xFFFFE003, lr  }
0x1b: {  	s9 =	sadd.s32 $0xFFFFFEF7, lr;
	s5 =	simm.s32 $0xFFFFFFFF;
	p2 =	slt.u32 s8, $0xFFFFF086  }
0x1c: {  	p1 =	slt.u32 s9, $0xF7A;
	s5 =	simm.s32 @!p2 $0x0  }
0x1d: {  	s5 =	simm.s32 @p1 $0x1;
	p0 =	seq.s32 s7, s2  }
0x1e: {  	s7 =	smul.u32 @!p0 $0xF7A, s2;
	p2 =	seq.s32 @!p0 s5, $0x0  }
0x1f: {  	s9 =	smul.u32 $0xF7A, s1;
	s8 =	simm.s32 @!p0 $0x1BF5;
	p2 =	por !p2, p0  }
0x20: {  	[sflag:s8] =	ssyncset.s32 @!p0 $0xFFFFF086;
	s6 =	sadd.s32 @!p0 s3, s7;
	s7 =	simm.s32 @!p0 $0x108  }
0x21: {  	s3 =	sadd.s32 s3, s9;
	s6 =	sadd.s32 @!p0 $0x88, s6;
	s7 =	simm.s32 @p2 $0x1082  }
0x22: {  	[simem:s7], [sflag:s8] =	dma.local @!p0 [hbm:s6], $0xF7A  }
0x23: {  	s9 =	sor.u32 $0xD0000000, s2;
	s6 =	simm.s32 $0x108;
	_ =	swait.ge @!p0 [sflag:s8], $0x0  }
0x24: {  	s3 =	sadd.s32 $0x88, s3;
	s6 =	simm.s32 @!p1 $0x1082;
	[sflag:s4] =	ssyncset.s32 $0xFFFFF086  }
0x25: {  	[simem:s6], [sflag:s4] =	dma.local [hbm:s3], $0xF7A  }
0x26: {  	[smem:$0x3F9F] =	sst s1;
	(tag) =	ssettag s2;
	_ =	strace s9  }
0x27: {  	s1 =	sld [smem:$0x3FAF]  }
0x28: {  	s2 =	sld [smem:$0x3FB0]  }
0x29: {  	s4 =	sld [smem:$0x3FB2]  }
0x2a: {  	p0 =	seq.s32 s5, $0x0;
	s5 =	sld [smem:$0x3FB3]  }
0x2b: {  	s6 =	sld [smem:$0x3FB4]  }
0x2c: {  	s7 =	sld [smem:$0x3FB5]  }
0x2d: {  	s3 =	simm.s32 $0x108;
	s8 =	sld [smem:$0x3FB6]  }
0x2e: {  	s3 =	simm.s32 @!p0 $0x1082;
	s9 =	sld [smem:$0x3FB7]  }
0x2f: {  	lr =	sadd.s32 s0, s3;
	s0 =	sld [smem:$0x3FAE]  }
0x30: {  	s3 =	sld [smem:$0x3FB1]  }
0x31: {  	[smem:$0x3FBA] =	sst s10  }
0x32: {  	s10 =	sld [smem:$0x3FB8];
	_ =	sdelay $0x3  }
0x33: {  	p0 =	seq.s32 s10, $0x1;
	s10 =	sld [smem:$0x3FBA];
	_ =	sdelay $0x3  }
0x34: {  	[smem:$0x3FBA] =	sst s10  }
0x35: {  	s10 =	sld [smem:$0x3FB9];
	_ =	sdelay $0x3  }
0x36: {  	p1 =	seq.s32 s10, $0x1;
	s10 =	sld [smem:$0x3FBA];
	_ =	sdelay $0x3  }
0x37: {  	[smem:$0x3FBA] =	sst s10  }
0x38: {  	s10 =	sld [smem:$0x3FBB]  }
0x39: {  	_ = 	snop;
	(pc) =	sbr.ind lr, $3  }
0x3a: {  	_ = 	snop  }
0x3b: {  	_ = 	snop  }
0x3c: {  	p2 =	seq.s32 s10, $0x1;
	s10 =	sld [smem:$0x3FBA]  }
0x3d: {  	_ =	shalt  }
0x3e: {  	_ =	shalt  }
0x3f: {  	_ =	shalt  }
0x40: {  	_ =	shalt  }
0x41: {  	_ =	shalt  }
0x42: {  	_ =	shalt  }
0x43: {  	_ =	shalt  }
0x44: {  	_ =	shalt  }
0x45: {  	_ =	shalt  }
0x46: {  	_ =	shalt  }
0x47: {  	_ =	shalt  }
0x48: {  	_ =	shalt  }
0x49: {  	_ =	shalt  }
0x4a: {  	_ =	shalt  }
0x4b: {  	_ =	shalt  }
0x4c: {  	_ =	shalt  }
0x4d: {  	_ =	shalt  }
0x4e: {  	_ =	shalt  }
0x4f: {  	_ =	shalt  }
0x50: {  	_ =	shalt  }
0x51: {  	_ =	shalt  }
0x52: {  	_ =	shalt  }
0x53: {  	_ =	shalt  }
0x54: {  	_ =	shalt  }
0x55: {  	_ =	shalt  }
0x56: {  	_ =	shalt  }
0x57: {  	_ =	shalt  }
0x58: {  	_ =	shalt  }
0x59: {  	_ =	shalt  }
0x5a: {  	_ =	shalt  }
0x5b: {  	_ =	shalt  }
0x5c: {  	_ =	shalt  }
0x5d: {  	_ =	shalt  }
0x5e: {  	_ =	shalt  }
0x5f: {  	_ =	shalt  }
0x60: {  	_ =	shalt  }
0x61: {  	_ =	shalt  }
0x62: {  	_ =	shalt  }
0x63: {  	_ =	shalt  }
0x64: {  	_ =	shalt  }
0x65: {  	_ =	shalt  }
0x66: {  	_ =	shalt  }
0x67: {  	_ =	shalt  }
0x68: {  	_ =	shalt  }
0x69: {  	_ =	shalt  }
0x6a: {  	_ =	shalt  }
0x6b: {  	_ =	shalt  }
0x6c: {  	_ =	shalt  }
0x6d: {  	_ =	shalt  }
0x6e: {  	_ =	shalt  }
0x6f: {  	_ =	shalt  }
0x70: {  	_ =	shalt  }
0x71: {  	_ =	shalt  }
0x72: {  	_ =	shalt  }
0x73: {  	_ =	shalt  }
0x74: {  	_ =	shalt  }
0x75: {  	_ =	shalt  }
0x76: {  	_ =	shalt  }
0x77: {  	_ =	shalt  }
0x78: {  	_ =	shalt  }
0x79: {  	_ =	shalt  }
0x7a: {  	_ =	shalt  }
0x7b: {  	_ =	shalt  }
0x7c: {  	_ =	shalt  }
0x7d: {  	_ =	shalt  }
0x7e: {  	_ =	shalt  }
0x7f: {  	_ =	shalt  }
0x80: {  	_ =	shalt  }
0x81: {  	_ =	shalt  }
0x82: {  	_ =	shalt  }
0x83: {  	_ =	shalt  }
0x84: {  	_ =	shalt  }
0x85: {  	_ =	shalt  }
0x86: {  	_ =	shalt  }
0x87: {  	_ =	shalt  }
.Lfunc_end0:
.L_simem_size_0:
called_computation.1_lowered:
.L_overlay_start_0:
0x88: {  	s2 =	sld [smem:$0x3FD9]  }
0x89: {  	s3 =	sld [smem:$0x3FFE];
	_ =	sdelay $0x1  }
0x8a: {  	s1 =	srdreg.scid  }
0x8b: {  	s0 =	sand.u32 $0x1, s1  }
0x8c: {  	s17 =	sshll.u32 s0, $0xA;
	s2 =	sadd.s32 s3, s2  }
0x8d: {  	s2 =	sadd.s32 s2, s17  }
0x8e: {  	[smem:$0x3FC6] =	sst s2  }
0x8f: {  	_ = 	snop  }
0x90: {  	s2 =	sld [smem:$0x3FD0];
	(tm) =	ssettm $0x1  }
0x91: {  	s18 =	sld [smem:$0x3FFB];
	_ =	sdelay $0x3  }
0x92: {  	_ =	strace s18  }
0x93: {  	s3 =	sld [smem:$0x3FFC];
	_ =	sdelay $0x3  }
0x94: {  	_ =	strace s3  }
0x95: {  	s3 =	sld [smem:$0x3FFD];
	_ =	sdelay $0x3  }
0x96: {  	_ =	strace s3  }
0x97: {  	_ =	strace $0x8FFFFFFF  }
0x98: {  	s19 =	sld [smem:$0x3FDB];
	_ =	sdelay $0x1  }
0x99: {  	s4 =	simm.s32 $_scs_section_size  }
0x9a: {  	s5 =	simm.s32 $_size__tile_overlayer_lowered;
	s6 =	simm.s32 $_tile_overlayer_lowered  }
0x9b: {  	s22 =	simm.s32 $0x1BFF;
	s21 =	sshll.u32 s6, $0x1;
	s3 =	sadd.s32 s4, s19  }
0x9c: {  	s7 =	simm.s32 $0x0;
	s20 =	sshll.u32 s5, $0x1;
	s5 =	sadd.s32 s21, s3  }
0x9d: {  	[timem:s7], [sflag:s22] =	dma.local [hbm:s5], s20  }
0x9e: {  	_ =	swait.ge [sflag:s22], s20  }
0x9f: {  	s4 =	ssub.s32 $0x0, s20;
	[sflag:s22] =	ssyncset.done $0x0  }
0xa0: {  	[sflag:s22] =	ssyncadd.s32 s4;
	_ =	sdelay $0x1  }
0xa1: {  	s23 =	simm.s32 $0x1B8B  }
0xa2: {  	_ =	swait.ge [sflag:s23], $0x1  }
0xa3: {  	[sflag:s23] =	ssyncset.done $0x0  }
0xa4: {  	s25 =	simm.s32 $0x1B8E;
	s24 =	sld [smem:$0x3FFE];
	[sflag:s23] =	ssyncadd.s32 $0xFFFFFFFF  }
0xa5: {  	s26 =	simm.s32 $execute0_lowered;
	[smem:$0x3FD2] =	sst s25  }
0xa6: {  	s5 =	sshll.u32 s26, $0x1;
	_ =	strace $0x80000046;
	[dreg:$0x1] =	wrdreg $0xFFFFFFFF  }
0xa7: {  	s28 =	simm.s32 $_size_execute0_lowered;
	s3 =	sadd.s32 s3, s5;
	[dreg:$0x0] =	wrdreg $0x0  }
0xa8: {  	s5 =	sshll.u32 s28, $0x1;
	[dreg:$0x2] =	wrdreg s3  }
0xa9: {  	[dreg:$0x3] =	wrdreg s5  }
0xaa: {  	[dreg:$0x4] =	wrdreg $0xC0  }
0xab: {  	_ =	task [dreg:s7], $0x5FFFF  }
0xac: {  	[dreg:$0x1] =	wrdreg $0xFFFFFFFF  }
0xad: {  	[dreg:$0x0] =	wrdreg $0x60  }
0xae: {  	[dreg:$0x2] =	wrdreg s24  }
0xaf: {  	[dreg:$0x3] =	wrdreg s2  }
0xb0: {  	[dreg:$0x4] =	wrdreg $0x9  }
0xb1: {  	_ =	task.clear_ibuf [dreg:s7], $0x5FFFF;
	_ =	strace $0x90000046  }
0xb2: {  	s29 =	simm.s32 $0x9;
	_ =	strace $0x80000048  }
0xb3: {  	_ =	swait.ge [sflag:s29], $0x1  }
0xb4: {  	[sflag:s29] =	ssyncadd.s32 $0xFFFFFFFF  }
0xb5: {  	_ =	strace $0x90000048  }
0xb6: {  	_ =	sfence  }
0xb7: {  	s30 =	sld [smem:$0x0];
	_ =	sdelay $0x2  }
0xb8: {  	s31 =	sshll.u32 s1, $0xD;
	s1 =	sshrl.u32 s1, $0x2  }
0xb9: {  	s3 =	sand.u32 $0x4000, s31;
	s1 =	sadd.s32 s1, s30  }
0xba: {  	s0 =	sor.u32 s3, s0;
	s1 =	sshll.u32 s1, $0x11  }
0xbb: {  	s0 =	sor.u32 s1, s0  }
0xbc: {  	s0 =	sadd.s32 $0x8F2B, s0  }
0xbd: {  	[sflag:s0] =	ssyncadd.remote.s32 $0x1  }
0xbe: {  	_ =	sfence.sel $0xFFFF  }
0xbf: {  	[dreg:$0x0] =	wrdreg $0xFFFFFFFF;
	(pc) =	sbr.abs _section_cstart, $3  }
0xc0: {  	[dreg:$0x1] =	wrdreg $0xFFFFFFFF  }
0xc1: {  	_ =	task.clear_ibuf [dreg:s7], $0x2FFFF;
	_ =	strace $0x9FFFFFFF  }
0xc2: {  	(tm) =	ssettm $0x7FFFFFFF  }
0xc3: {  	_ =	shalt  }
tec
execute0_lowered:
.L_overlay_start_1:
0x0: {  	(tag) =	ssettag $0x1  }
0x1: {  	s0 =	srdreg.scid  }
0x2: {  	s1 =	rddreg [dreg:$0x0];
	s8 =	stileid.u32  }
0x3: {  	s4 =	rddreg [dreg:$0x1];
	s2 =	simm.s32 $0x0;
	s9 =	simm.s32 $0x3400  }
0x4: {  	s10 =	simm.s32 $0x6800;
	s12 =	simm.s32 $0x9C00;
	s14 =	simm.s32 $0xD000  }
0x5: {  	s15 =	simm.s32 $0x1;
	s16 =	simm.s32 $0x10400;
	s17 =	simm.s32 $0x2  }
0x6: {  	s18 =	simm.s32 $0x13800;
	s19 =	simm.s32 $0x3;
	s20 =	simm.s32 $0x16C00  }
0x7: {  	s21 =	simm.s32 $0x4;
	s22 =	simm.s32 $0x1A000;
	s28 =	simm.s32 $0x7  }
0x8: {  	s29 =	simm.s32 $0xB;
	s30 =	simm.s32 $0x8;
	s31 =	simm.s32 $0xC  }
0x9: {  	s0 =	sand.u32 $0x1, s0;
	s3 =	sshll.u32 s8, $0x6;
	[smem:$0x7FF] =	sst s2  }
0xa: {  	s8 =	smul.u32 $0x1A000, s8;
	s5 =	sshll.u32 s0, $0x5;
	_ =	strace $0x80000047  }
0xb: {  	s23 =	ssub.s32 $0x2, s0;
	s0 =	smul.u32 $0xD000, s0;
	s3 =	sor.u32 s5, s3  }
0xc: {  	s7 =	sshrl.u32 s23, $0x1;
	s26 =	sadd.s32 s8, s4;
	s3 =	smul.u32 $0x34, s3  }
.Ltmp0:
0xd: {  	s8 =	simm.s32 $0x1A0;
	s4 =	simm.s32 $0x0;
	(pc) =	sbr.rel .LBB2_1-.Ltmp0, $4  }
0xe: {  	s24 =	ssub.s32 s23, s7;
	s23 =	simm.s32 $0x5;
	s6 =	sadd.s32 s3, s1  }
0xf: {  	s3 =	sadd.s32 $0xF42E00, s1;
	s1 =	smax.u32 s24, $0x1;
	s24 =	simm.s32 $0x9  }
0x10: {  	s25 =	sadd.s32 $0xA00, s6;
	[dreg:$0x4] =	wrdreg s1;
	s6 =	sadd.s32 s0, s26  }
0x11: {  	s26 =	simm.s32 $0xA;
	[dreg:$0x3] =	wrdreg s25;
	s25 =	simm.s32 $0x6  }
.LBB2_4:
0x12: {  	s0 =	simm.s32 $0xD  }
0x13: {  	_ =	swait.ge [sflag:s0], $0x3400  }
0x14: {  	[sflag:s0] =	ssyncset.done $0x0  }
0x15: {  	s7 =	simm.s32 $0xE;
	[sflag:s0] =	ssyncadd.s32 $0xFFFFCC00  }
0x16: {  	_ =	swait.ge [sflag:s7], $0x3400  }
0x17: {  	[sflag:s7] =	ssyncset.done $0x0  }
0x18: {  	s11 =	simm.s32 $0xF;
	[sflag:s7] =	ssyncadd.s32 $0xFFFFCC00  }
0x19: {  	_ =	swait.ge [sflag:s11], $0x3400  }
0x1a: {  	[sflag:s11] =	ssyncset.done $0x0  }
0x1b: {  	s1 =	simm.s32 $0x10;
	[sflag:s11] =	ssyncadd.s32 $0xFFFFCC00  }
0x1c: {  	_ =	swait.ge [sflag:s1], $0x3400  }
0x1d: {  	s4 =	rddreg [dreg:$0x5]  }
0x1e: {  	s13 =	rddreg [dreg:$0x4];
	s4 =	sadd.s32 $0x1, s4  }
0x1f: {  	p0 =	sne.s32 s4, s13  }
.Ltmp1:
0x20: {  	_ = 	snop;
	(pc) =	sbr.rel @!p0 .LBB2_5-.Ltmp1, $3  }
0x21: {  	_ =	sdelay $0x1  }
0x22: {  	[sflag:s1] =	ssyncset.done $0x0  }
0x23: {  	[sflag:s1] =	ssyncadd.s32 $0xFFFFCC00  }
.LBB2_1:
0x24: {  	[dreg:$0x5] =	wrdreg s4  }
0x25: {  	s0 =	rddreg [dreg:$0x3];
	s7 =	simm.s32 $0x11  }
0x26: {  	[tilespmem:s2], [sflag:$0x11] =	stream.linear.gather [hbm4b:s0+s2], $0x3400, $0x38;
	[tilespmem:$0x1D400] =	vst v63  }
0x27: {  	_ =	swait.ge [sflag:s7], $0x3400  }
0x28: {  	[sflag:s7] =	ssyncset.done $0x0  }
0x29: {  	[sflag:s7] =	ssyncadd.s32 $0xFFFFCC00  }
0x2a: {  	[tilespmem:s9], [sflag:$0x1] =	stream.indirect.gather [hbm4b:s3+s8], $0x20, s2, s8, $0xb8;
	[tilespmem:$0x1D400] =	vst v63  }
0x2b: {  	_ = 	snop  }
0x2c: {  	[tilespmem:s10], [sflag:$0x2] =	stream.indirect.gather [hbm4b:s3+s8], $0x20, s8, s8, $0xb8;
	[tilespmem:$0x1D400] =	vst v63  }
0x2d: {  	s11 =	simm.s32 $0x340  }
0x2e: {  	[tilespmem:s12], [sflag:$0x3] =	stream.indirect.gather [hbm4b:s3+s8], $0x20, s11, s8, $0xb8;
	[tilespmem:$0x1D400] =	vst v63  }
0x2f: {  	s13 =	simm.s32 $0x4E0;
	s5 =	simm.s32 $0x0  }
0x30: {  	[tilespmem:s14], [sflag:$0x4] =	stream.indirect.gather [hbm4b:s3+s8], $0x20, s13, s8, $0xb8;
	[tilespmem:$0x1D400] =	vst v63  }
.LBB2_2:
0x31: {  	_ =	swait.ge [sflag:s15], $0x3400  }
0x32: {  	p0 =	seq.s32 s5, $0x0;
	[sflag:s15] =	ssyncset.done $0x0  }
0x33: {  	s1 =	sadd.s32 s5, s6;
	s0 =	simm.s32 @!p0 $0xD;
	[sflag:s15] =	ssyncadd.s32 $0xFFFFCC00  }
0x34: {  	[hbm4b:s1+s2] =	stream.linear.scatter [tilespmem:s9], [sflag:$0x9], $0x3400, $0x38;
	[tilespmem:$0x1D400] =	vst v63  }
0x35: {  	_ =	swait.ge @!p0 [sflag:s0], $0x3400  }
0x36: {  	s7 =	sshra.s32 s5, $0x2;
	[sflag:s0] =	ssyncset.done @!p0 $0x0  }
0x37: {  	s13 =	sadd.s32 $0x680, s7;
	[sflag:s0] =	ssyncadd.s32 @!p0 $0xFFFFCC00  }
0x38: {  	[tilespmem:s16], [sflag:$0x5] =	stream.indirect.gather [hbm4b:s3+s8], $0x20, s13, s8, $0xb8;
	[tilespmem:$0x1D400] =	vst v63  }
0x39: {  	_ =	swait.ge [sflag:s17], $0x3400  }
0x3a: {  	[sflag:s17] =	ssyncset.done $0x0  }
0x3b: {  	s4 =	sadd.s32 $0x680, s1;
	s0 =	simm.s32 @!p0 $0xE;
	[sflag:s17] =	ssyncadd.s32 $0xFFFFCC00  }
0x3c: {  	[hbm4b:s4+s2] =	stream.linear.scatter [tilespmem:s10], [sflag:$0xA], $0x3400, $0x38;
	[tilespmem:$0x1D400] =	vst v63  }
0x3d: {  	_ =	swait.ge @!p0 [sflag:s0], $0x3400  }
0x3e: {  	[sflag:s0] =	ssyncset.done @!p0 $0x0  }
0x3f: {  	s11 =	sadd.s32 $0x820, s7;
	[sflag:s0] =	ssyncadd.s32 @!p0 $0xFFFFCC00  }
0x40: {  	[tilespmem:s18], [sflag:$0x6] =	stream.indirect.gather [hbm4b:s3+s8], $0x20, s11, s8, $0xb8;
	[tilespmem:$0x1D400] =	vst v63  }
0x41: {  	_ =	swait.ge [sflag:s19], $0x3400  }
0x42: {  	[sflag:s19] =	ssyncset.done $0x0  }
0x43: {  	s13 =	sadd.s32 $0xD00, s1;
	s0 =	simm.s32 @!p0 $0xF;
	[sflag:s19] =	ssyncadd.s32 $0xFFFFCC00  }
0x44: {  	[hbm4b:s13+s2] =	stream.linear.scatter [tilespmem:s12], [sflag:$0xB], $0x3400, $0x38;
	[tilespmem:$0x1D400] =	vst v63  }
0x45: {  	_ =	swait.ge @!p0 [sflag:s0], $0x3400  }
0x46: {  	[sflag:s0] =	ssyncset.done @!p0 $0x0  }
0x47: {  	s4 =	sadd.s32 $0x9C0, s7;
	[sflag:s0] =	ssyncadd.s32 @!p0 $0xFFFFCC00  }
0x48: {  	[tilespmem:s20], [sflag:$0x7] =	stream.indirect.gather [hbm4b:s3+s8], $0x20, s4, s8, $0xb8;
	[tilespmem:$0x1D400] =	vst v63  }
0x49: {  	_ =	swait.ge [sflag:s21], $0x3400  }
0x4a: {  	[sflag:s21] =	ssyncset.done $0x0  }
0x4b: {  	s11 =	sadd.s32 $0x1380, s1;
	s0 =	simm.s32 @!p0 $0x10;
	[sflag:s21] =	ssyncadd.s32 $0xFFFFCC00  }
0x4c: {  	[hbm4b:s11+s2] =	stream.linear.scatter [tilespmem:s14], [sflag:$0xC], $0x3400, $0x38;
	[tilespmem:$0x1D400] =	vst v63  }
0x4d: {  	_ =	swait.ge @!p0 [sflag:s0], $0x3400  }
0x4e: {  	[sflag:s0] =	ssyncset.done @!p0 $0x0  }
0x4f: {  	s13 =	sadd.s32 $0xB60, s7;
	[sflag:s0] =	ssyncadd.s32 @!p0 $0xFFFFCC00  }
0x50: {  	[tilespmem:s22], [sflag:$0x8] =	stream.indirect.gather [hbm4b:s3+s8], $0x20, s13, s8, $0xb8;
	[tilespmem:$0x1D400] =	vst v63  }
0x51: {  	_ =	swait.ge [sflag:s23], $0x3400  }
0x52: {  	[sflag:s23] =	ssyncset.done $0x0  }
0x53: {  	s4 =	sadd.s32 $0x1A00, s1;
	[sflag:s23] =	ssyncadd.s32 $0xFFFFCC00  }
0x54: {  	[hbm4b:s4+s2] =	stream.linear.scatter [tilespmem:s16], [sflag:$0xD], $0x3400, $0x38;
	[tilespmem:$0x1D400] =	vst v63  }
0x55: {  	p0 =	seq.s32 s5, $0x9C00;
	_ =	swait.ge [sflag:s24], $0x3400  }
0x56: {  	s0 =	sshra.s32 @!p0 s5, $0x2;
	s13 =	simm.s32 @!p0 $0x1A0;
	[sflag:s24] =	ssyncset.done $0x0  }
0x57: {  	s11 =	sadd.s32 @!p0 $0xD00, s0;
	s4 =	simm.s32 @!p0 $0x3400;
	[sflag:s24] =	ssyncadd.s32 $0xFFFFCC00  }
0x58: {  	[tilespmem:s4], [sflag:$0x1] =	stream.indirect.gather @!p0 [hbm4b:s3+s13], $0x20, s11, s13, $0xb8;
	[tilespmem:$0x1D400] =	vst v63  }
0x59: {  	_ =	swait.ge [sflag:s25], $0x3400  }
0x5a: {  	[sflag:s25] =	ssyncset.done $0x0  }
0x5b: {  	s11 =	sadd.s32 $0x2080, s1;
	[sflag:s25] =	ssyncadd.s32 $0xFFFFCC00  }
0x5c: {  	[hbm4b:s11+s2] =	stream.linear.scatter [tilespmem:s18], [sflag:$0xE], $0x3400, $0x38;
	[tilespmem:$0x1D400] =	vst v63  }
0x5d: {  	_ =	swait.ge [sflag:s26], $0x3400  }
0x5e: {  	[sflag:s26] =	ssyncset.done $0x0  }
0x5f: {  	s4 =	sadd.s32 @!p0 $0xEA0, s0;
	s11 =	simm.s32 @!p0 $0x6800;
	[sflag:s26] =	ssyncadd.s32 $0xFFFFCC00  }
0x60: {  	[tilespmem:s11], [sflag:$0x2] =	stream.indirect.gather @!p0 [hbm4b:s3+s13], $0x20, s4, s13, $0xb8;
	[tilespmem:$0x1D400] =	vst v63  }
0x61: {  	_ =	swait.ge [sflag:s28], $0x3400  }
0x62: {  	[sflag:s28] =	ssyncset.done $0x0  }
0x63: {  	s11 =	sadd.s32 $0x2700, s1;
	[sflag:s28] =	ssyncadd.s32 $0xFFFFCC00  }
0x64: {  	[hbm4b:s11+s2] =	stream.linear.scatter [tilespmem:s20], [sflag:$0xF], $0x3400, $0x38;
	[tilespmem:$0x1D400] =	vst v63  }
0x65: {  	_ =	swait.ge [sflag:s29], $0x3400  }
0x66: {  	[sflag:s29] =	ssyncset.done $0x0  }
0x67: {  	s0 =	sadd.s32 @!p0 $0x1040, s0;
	s4 =	simm.s32 @!p0 $0x9C00;
	[sflag:s29] =	ssyncadd.s32 $0xFFFFCC00  }
0x68: {  	[tilespmem:s4], [sflag:$0x3] =	stream.indirect.gather @!p0 [hbm4b:s3+s13], $0x20, s0, s13, $0xb8;
	[tilespmem:$0x1D400] =	vst v63  }
0x69: {  	_ =	swait.ge [sflag:s30], $0x3400  }
0x6a: {  	[sflag:s30] =	ssyncset.done $0x0  }
.Ltmp2:
0x6b: {  	s13 =	sadd.s32 $0x2D80, s1;
	[sflag:s30] =	ssyncadd.s32 $0xFFFFCC00;
	(pc) =	sbr.rel @p0 .LBB2_4-.Ltmp2, $4  }
0x6c: {  	[hbm4b:s13+s2] =	stream.linear.scatter [tilespmem:s22], [sflag:$0x10], $0x3400, $0x38;
	[tilespmem:$0x1D400] =	vst v63  }
0x6d: {  	_ =	swait.ge [sflag:s31], $0x3400  }
0x6e: {  	[sflag:s31] =	ssyncset.done $0x0  }
0x6f: {  	[sflag:s31] =	ssyncadd.s32 $0xFFFFCC00  }
.Ltmp3:
0x70: {  	(pc) =	sbr.rel .LBB2_2-.Ltmp3, $3  }
0x71: {  	_ =	sdelay $0x1  }
0x72: {  	s0 =	sadd.s32 $0x11E0, s7;
	s5 =	sadd.s32 $0x3400, s5  }
0x73: {  	[tilespmem:s14], [sflag:$0x4] =	stream.indirect.gather [hbm4b:s3+s8], $0x20, s0, s8, $0xb8;
	[tilespmem:$0x1D400] =	vst v63  }
.LBB2_5:
0x74: {  	_ =	sfence.sel $0x180000  }
0x75: {  	[bflag:$0x0] =	sbarrier.arrive $0xFFFF  }
0x76: {  	_ =	strace $0x90000047  }
0x77: {  	s0 =	stileid.u32;
	[bflag:$0x2] =	sbarrier.arrive $0xFFFF  }
0x78: {  	p0 =	sne.s32 s0, $0x0;
	s0 =	rddreg [dreg:$0x2]  }
0x79: {  	s0 =	sadd.s32 @!p0 $0x100000, s0  }
0x7a: {  	[sflag:s0] =	ssyncadd.tile.s32 @!p0 $0x1;
	_ =	shalt  }
.Lfunc_end2:
_tile_overlayer_lowered:
.L_overlay_start_2:
0x7b: {  	(tag) =	ssettag $0x2  }
0x7c: {  	s0 =	rddreg [dreg:$0x0];
	s2 =	stileid.u32  }
0x7d: {  	s1 =	rddreg [dreg:$0x1];
	p0 =	sne.s32 s2, $0x0  }
0x7e: {  	s3 =	rddreg [dreg:$0x2];
	[bflag:$0x3] =	sbarrier.arrive $0xFFFF;
	s2 =	simm.s32 @!p0 $0x1C11  }
0x7f: {  	[timem:s3], [sflag:s2] =	dma.local @!p0 [hbm:s0], s1  }
0x80: {  	s0 =	simm.s32 @!p0 $0x11  }
0x81: {  	_ =	swait.ge @!p0 [sflag:s0], s1  }
0x82: {  	s1 =	ssub.s32 @!p0 $0x0, s1;
	[sflag:s0] =	ssyncset.done @!p0 $0x0  }
0x83: {  	[sflag:s0] =	ssyncadd.s32 @!p0 s1  }
0x84: {  	[bflag:$0x3] =	sbarrier.arrive $0xFFFF  }
0x85: {  	_ =	shalt  }

// kernel: sparse-core-data-format-call.cloned.1.call-start
scs
called_computation_lowered:
.L_overlay_start_0:
0x0: {  	s2 =	sld [smem:$0x3FD9]  }
0x1: {  	s3 =	sld [smem:$0x3FFE];
	_ =	sdelay $0x1  }
0x2: {  	s1 =	srdreg.scid  }
0x3: {  	s0 =	sand.u32 $0x1, s1  }
0x4: {  	s18 =	sshll.u32 s0, $0xA;
	s2 =	sadd.s32 s3, s2  }
0x5: {  	s2 =	sadd.s32 s2, s18  }
0x6: {  	[smem:$0x3FC6] =	sst s2  }
0x7: {  	_ = 	snop  }
0x8: {  	s2 =	sld [smem:$0x3FD0];
	(tm) =	ssettm $0x1  }
0x9: {  	s19 =	sld [smem:$0x3FFB];
	_ =	sdelay $0x3  }
0xa: {  	_ =	strace s19  }
0xb: {  	s3 =	sld [smem:$0x3FFC];
	_ =	sdelay $0x3  }
0xc: {  	_ =	strace s3  }
0xd: {  	s3 =	sld [smem:$0x3FFD];
	_ =	sdelay $0x3  }
0xe: {  	_ =	strace s3  }
0xf: {  	_ =	strace $0x8FFFFFFF  }
0x10: {  	s20 =	sld [smem:$0x3FDB];
	_ =	sdelay $0x1  }
0x11: {  	s4 =	simm.s32 $_scs_section_size  }
0x12: {  	s5 =	simm.s32 $_size__tile_overlayer_lowered;
	s6 =	simm.s32 $_tile_overlayer_lowered  }
0x13: {  	s23 =	simm.s32 $0x1BFF;
	s22 =	sshll.u32 s6, $0x1;
	s3 =	sadd.s32 s4, s20  }
0x14: {  	s7 =	simm.s32 $0x0;
	s21 =	sshll.u32 s5, $0x1;
	s5 =	sadd.s32 s22, s3  }
0x15: {  	[timem:s7], [sflag:s23] =	dma.local [hbm:s5], s21  }
0x16: {  	_ =	swait.ge [sflag:s23], s21  }
0x17: {  	s4 =	ssub.s32 $0x0, s21;
	[sflag:s23] =	ssyncset.done $0x0  }
0x18: {  	[sflag:s23] =	ssyncadd.s32 s4;
	_ =	sdelay $0x1  }
0x19: {  	s24 =	simm.s32 $0x1B8B  }
0x1a: {  	_ =	swait.ge [sflag:s24], $0x1  }
0x1b: {  	[sflag:s24] =	ssyncset.done $0x0  }
0x1c: {  	s26 =	simm.s32 $0x1B8E;
	s25 =	sld [smem:$0x3FFE];
	[sflag:s24] =	ssyncadd.s32 $0xFFFFFFFF  }
0x1d: {  	s27 =	simm.s32 $execute0_lowered;
	[smem:$0x3FD2] =	sst s26  }
0x1e: {  	s5 =	sshll.u32 s27, $0x1;
	_ =	strace $0x80000049;
	[dreg:$0x1] =	wrdreg $0xFFFFFFFF  }
0x1f: {  	s28 =	simm.s32 $_size_execute0_lowered;
	s3 =	sadd.s32 s3, s5;
	[dreg:$0x0] =	wrdreg $0x0  }
0x20: {  	s5 =	sshll.u32 s28, $0x1;
	[dreg:$0x2] =	wrdreg s3  }
0x21: {  	[dreg:$0x3] =	wrdreg s5  }
0x22: {  	[dreg:$0x4] =	wrdreg $0xC0  }
0x23: {  	_ =	task [dreg:s7], $0x5FFFF  }
0x24: {  	[dreg:$0x1] =	wrdreg $0xFFFFFFFF  }
0x25: {  	[dreg:$0x0] =	wrdreg $0x60  }
0x26: {  	[dreg:$0x2] =	wrdreg s25  }
0x27: {  	[dreg:$0x3] =	wrdreg s2  }
0x28: {  	[dreg:$0x4] =	wrdreg $0x9  }
0x29: {  	_ =	task.clear_ibuf [dreg:s7], $0x5FFFF;
	_ =	strace $0x90000049  }
0x2a: {  	s29 =	simm.s32 $0x9;
	_ =	strace $0x8000004B  }
0x2b: {  	_ =	swait.ge [sflag:s29], $0x1  }
0x2c: {  	[sflag:s29] =	ssyncadd.s32 $0xFFFFFFFF  }
0x2d: {  	_ =	strace $0x9000004B  }
0x2e: {  	_ =	sfence  }
0x2f: {  	s30 =	sld [smem:$0x0];
	_ =	sdelay $0x2  }
0x30: {  	s31 =	sshll.u32 s1, $0xD;
	s1 =	sshrl.u32 s1, $0x2  }
0x31: {  	s3 =	sand.u32 $0x4000, s31;
	s1 =	sadd.s32 s1, s30  }
0x32: {  	s0 =	sor.u32 s3, s0;
	s1 =	sshll.u32 s1, $0x11  }
0x33: {  	s0 =	sor.u32 s1, s0  }
0x34: {  	s0 =	sadd.s32 $0x8F2B, s0  }
0x35: {  	[sflag:s0] =	ssyncadd.remote.s32 $0x1  }
0x36: {  	_ =	sfence.sel $0xFFFF  }
0x37: {  	[dreg:$0x0] =	wrdreg $0xFFFFFFFF;
	(pc) =	sbr.abs _section_cstart, $3  }
0x38: {  	[dreg:$0x1] =	wrdreg $0xFFFFFFFF  }
0x39: {  	_ =	task.clear_ibuf [dreg:s7], $0x2FFFF;
	_ =	strace $0x9FFFFFFF  }
0x3a: {  	(tm) =	ssettm $0x7FFFFFFF  }
0x3b: {  	_ =	shalt  }
tec
execute0_lowered:
.L_overlay_start_1:
0x0: {  	(tag) =	ssettag $0x1  }
0x1: {  	s0 =	srdreg.scid  }
0x2: {  	s1 =	sshll.u32 s0, $0x4  }
0x3: {  	s0 =	stileid.u32;
	s1 =	sand.u32 $0x10, s1  }
0x4: {  	s1 =	sor.u32 s0, s1  }
0x5: {  	s6 =	rddreg [dreg:$0x0];
	s4 =	simm.s32 $0x1;
	s2 =	sshll.u32 s1, $0x7  }
0x6: {  	s7 =	simm.s32 $0x2;
	s12 =	simm.s32 $0x0;
	s1 =	ssub.s32 $0x4000, s2  }
0x7: {  	s8 =	simm.s32 $0x20000;
	s13 =	simm.s32 $0x0;
	s3 =	sand.u32 $0xF80, s1  }
0x8: {  	s9 =	simm.s32 $0x0;
	s5 =	sshrl.u32 s1, $0xC;
	p0 =	sne.s32 s3, $0x0  }
.Ltmp0:
0x9: {  	s1 =	rddreg [dreg:$0x2];
	s4 =	simm.s32 @!p0 $0x0;
	(pc) =	sbr.rel .LBB1_1-.Ltmp0, $4  }
0xa: {  	s11 =	simm.s32 $0x0;
	s3 =	rddreg [dreg:$0x1];
	s5 =	sadd.s32 s4, s5  }
0xb: {  	_ =	strace $0x8000004A;
	s4 =	simm.s32 $0x1;
	s5 =	smul.u32 $0x1A, s5  }
0xc: {  	s6 =	sadd.s32 $0xA00, s6;
	s10 =	smov.u32 s2;
	[sflag:s4] =	ssyncpa.u1 $0x0  }
0xd: {  	p0 =	por $0x0, $0x0;
	[sflag:s7] =	ssyncpa.u1 $0x0;
	s7 =	sor.u32 $0x1, s5  }
.LBB1_4:
0xe: {  	s16 =	sshll.u32 s13, $0x3;
	s17 =	sand.u32 $0x78, s13  }
0xf: {  	s30 =	sand.u32 $0xF800, s13;
	s12 =	sshll.u32 s12, $0x10;
	s16 =	sand.u32 $0x3C00, s16  }
0x10: {  	s31 =	sand.u32 $0x7, s13;
	s16 =	sor.u32 s17, s16;
	s17 =	sadd.s32 s3, s30  }
0x11: {  	s13 =	sshll.u32 s31, $0x12;
	s16 =	sshrl.u32 s16, $0x3;
	s12 =	sadd.s32 s12, s17  }
0x12: {  	[tilespmem:s15+$0x0 ss:$0x81] =	vst.msk $0xffff, v0;
	s13 =	sor.u32 $0x400, s13;
	s12 =	sadd.s32 s16, s12  }
0x13: {  	[hbm4b:s12+s13] =	stream.strided.scatter [tilespmem:s14], [sflag:$0x2], $0x1000, s8, s13, $0x20;
	[tilespmem:$0x4040] =	vst v63  }
.LBB1_5:
0x14: {  	s14 =	sadd.s32 $0x1, s9  }
0x15: {  	s12 =	sadd.s32 $0x1000, s10;
	s16 =	smov.u32 s10;
	p2 =	sgt.s32 s14, $0x19  }
0x16: {  	s16 =	smov.u32 @p2 s12  }
0x17: {  	s14 =	simm.s32 @p2 $0x0;
	p2 =	sgt.s32 s16, $0x3FFF  }
0x18: {  	s16 =	smov.u32 @p2 s2;
	p2 =	sne.s32 s11, s7  }
.Ltmp1:
0x19: {  	p1 =	slt.u32 s11, $0x2;
	(pc) =	sbr.rel @!p2 .LBB1_6-.Ltmp1, $4  }
0x1a: {  	s15 =	simm.s32 @!p1 $0x2  }
0x1b: {  	s13 =	smov.u32 s10;
	p0 =	por !p0, !p0;
	_ =	swait.ge @!p1 [sflag:s15], $0x1000  }
0x1c: {  	s12 =	smov.u32 s9;
	[sflag:s15] =	ssyncset.done @!p1 $0x0;
	s9 =	smov.u32 s14  }
0x1d: {  	s11 =	sadd.s32 $0x1, s11;
	[sflag:s15] =	ssyncadd.s32 @!p1 $0xFFFFF000;
	s10 =	smov.u32 s16  }
.LBB1_1:
0x1e: {  	p1 =	sge.u32 s11, s5  }
0x1f: {  	s31 =	sadd.s32 $0xFFFFFFFF, s11;
	s14 =	sxor.u32 @!p1 $0xFFFFFFFF, s11  }
0x20: {  	s15 =	sshll.u32 @!p1 s10, $0x9;
	s16 =	sshll.u32 @!p1 s9, $0x4;
	s17 =	simm.s32 @!p1 $0x1000  }
0x21: {  	s14 =	sshll.u32 @!p1 s14, $0xC;
	s16 =	sand.u32 @!p1 $0x1F0, s16;
	s15 =	sadd.s32 @!p1 s6, s15  }
0x22: {  	s14 =	sand.u32 @!p1 $0x1000, s14;
	s15 =	sadd.s32 @!p1 s16, s15;
	s16 =	simm.s32 @!p1 $0x20  }
0x23: {  	[tilespmem:s14], [sflag:$0x1] =	stream.strided.gather @!p1 [hbm4b:s15+s16], $0x1000, s17, s16, $0x38;
	[tilespmem:$0x4040] =	vst v63  }
0x24: {  	p1 =	sge.u32 s31, s5  }
.Ltmp2:
0x25: {  	_ = 	snop;
	(pc) =	sbr.rel @p1 .LBB1_5-.Ltmp2, $1  }
0x26: {  	_ =	sdelay $0x3  }
0x27: {  	s14 =	simm.s32 $0x1  }
0x28: {  	_ =	swait.ge [sflag:s4], $0x1000;
	s14 =	simm.s32 @!p0 $0x0  }
0x29: {  	[sflag:s4] =	ssyncset.done $0x0;
	s15 =	sshll.u32 s14, $0xC  }
0x2a: {  	[sflag:s4] =	ssyncadd.s32 $0xFFFFF000;
	s18 =	sor.u32 $0x10, s15  }
0x2b: {  	s14 =	smul.u32 $0x4080, s14;
	v1 =	vld [tilespmem:s18+$0x0]  }
0x2c: {  	s30 =	sand.u32 $0x1, s11;
	v0 =	vld [tilespmem:s18+$0xFFFFFFF0]  }
0x2d: {  	s15 =	smul.u32 $0x4080, s30;
	s14 =	sshrl.u32 s14, $0x2  }
0x2e: {  	s16 =	sor.u32 $0x2000, s14  }
0x2f: {  	s31 =	sshrl.u32 s15, $0x2;
	s15 =	sadd.s32 $0x0, s16  }
0x30: {  	s17 =	simm.s32 $0x4;
	s18 =	sadd.s32 $0x20, s18;
	s14 =	sor.u32 $0x2000, s31;
	[tilespmem:s15+$0x810 ss:$0x81] =	vst.msk $0xffff, v1  }
.LBB1_3:
0x31: {  	v1 =	vld [tilespmem:s18+$0x0];
	p1 =	sne.s32 s17, $0x1FC;
	[tilespmem:s15+$0x0 ss:$0x81] =	vst.msk $0xffff, v0;
	s15 =	smov.u32 s17;
	s17 =	sadd.s32 $0x4, s17  }
.Ltmp3:
0x32: {  	v0 =	vld [tilespmem:s18+$0xFFFFFFF0];
	(pc) =	sbr.rel @p1 .LBB1_3-.Ltmp3, $4  }
0x33: {  	_ = 	snop  }
0x34: {  	s15 =	sshra.s32 s15, $0x2  }
0x35: {  	s15 =	sadd.s32 s15, s16  }
0x36: {  	s18 =	sadd.s32 $0x20, s18;
	[tilespmem:s15+$0x810 ss:$0x81] =	vst.msk $0xffff, v1  }
.Ltmp4:
0x37: {  	_ = 	snop;
	(pc) =	sbr.rel .LBB1_4-.Ltmp4, $1  }
0x38: {  	_ =	sdelay $0x3  }
.LBB1_6:
0x39: {  	_ =	sfence.sel $0x180000  }
0x3a: {  	s2 =	simm.s32 $0x1;
	[bflag:$0x0] =	sbarrier.arrive $0xFFFF  }
0x3b: {  	s31 =	simm.s32 $0x2;
	[sflag:s2] =	ssyncpa.u1 $0x1  }
0x3c: {  	[sflag:s31] =	ssyncpa.u1 $0x1  }
0x3d: {  	p0 =	sne.s32 s0, $0x0;
	_ =	strace $0x9000004A  }
0x3e: {  	s0 =	sadd.s32 @!p0 $0x100000, s1;
	[bflag:$0x2] =	sbarrier.arrive $0xFFFF  }
0x3f: {  	[sflag:s0] =	ssyncadd.tile.s32 @!p0 $0x1;
	_ =	shalt  }
.Lfunc_end1:
_tile_overlayer_lowered:
.L_overlay_start_2:
0x40: {  	(tag) =	ssettag $0x2  }
0x41: {  	s0 =	rddreg [dreg:$0x0];
	s2 =	stileid.u32  }
0x42: {  	s1 =	rddreg [dreg:$0x1];
	p0 =	sne.s32 s2, $0x0  }
0x43: {  	s3 =	rddreg [dreg:$0x2];
	[bflag:$0x3] =	sbarrier.arrive $0xFFFF;
	s2 =	simm.s32 @!p0 $0x1C01  }
0x44: {  	[timem:s3], [sflag:s2] =	dma.local @!p0 [hbm:s0], s1  }
0x45: {  	s0 =	simm.s32 @!p0 $0x1  }
0x46: {  	_ =	swait.ge @!p0 [sflag:s0], s1  }
0x47: {  	s1 =	ssub.s32 @!p0 $0x0, s1;
	[sflag:s0] =	ssyncset.done @!p0 $0x0  }
0x48: {  	[sflag:s0] =	ssyncadd.s32 @!p0 s1  }
0x49: {  	[bflag:$0x3] =	sbarrier.arrive $0xFFFF  }
0x4a: {  	_ =	shalt  }

</sc_bundles>
